<compile_context>
chip_gen: v7x
topology: tpu7x:2x2x1
jax: 0.10.2.dev20260603
libtpu: 0.0.44.dev20260713+nightly
codegen_flags: <defaults>
</compile_context>

<pallas_src>
import functools

import jax
import jax.numpy as jnp
from jax import lax
from jax.experimental import pallas as pl
from jax.experimental.pallas import tpu as pltpu
from jax.experimental.pallas import tpu_sc as plsc

_B, _N, _M, _C, _S = 4, 8192, 2048, 64, 16
_L = 16
_NW = 32
_QPW = (_B * _M) // _NW
_WPB = _NW // _B
_NV = _N // _L
_QG = 16
_CH = 3 + _C


def _bf16_round(v):
    u = plsc.bitcast(v, jnp.int32)
    r = (u + jnp.int32(0x7FFF) + ((u >> 16) & 1)) & jnp.int32(-65536)
    return plsc.bitcast(r, jnp.float32)


def _sc_body(points, newpts, featsT, out,
             x_ref, y_ref, z_ref, xb_ref, yb_ref, zb_ref, xx_ref,
             d_ref, sd_ref, si_ref,
             fbuf_ref, stage_ref, idx_ref, q_ref, sem_in, sem_f):
    c = lax.axis_index("c")
    s = lax.axis_index("s")
    wid = s * 2 + c
    b = wid // _WPB
    q0 = (wid % _WPB) * _QPW

    pltpu.sync_copy(points.at[b, 0], x_ref)
    pltpu.sync_copy(points.at[b, 1], y_ref)
    pltpu.sync_copy(points.at[b, 2], z_ref)
    pltpu.sync_copy(newpts.at[b, :, pl.ds(q0, _QPW)], q_ref)

    @pl.loop(0, _NV)
    def _pre(i):
        sl = pl.ds(i * _L, _L)
        xv = x_ref[sl]
        yv = y_ref[sl]
        zv = z_ref[sl]
        xx_ref[sl] = xv * xv + yv * yv + zv * zv
        xb_ref[sl] = _bf16_round(xv)
        yb_ref[sl] = _bf16_round(yv)
        zb_ref[sl] = _bf16_round(zv)

    iota = lax.iota(jnp.int32, _L)
    inf16 = jnp.full((_L,), jnp.inf, jnp.float32)
    zeros16i = jnp.zeros((_L,), jnp.int32)
    cbase = iota * _C

    @pl.loop(0, _QPW, step=_QG)
    def _group(g):
        @pl.loop(0, _QG)
        def _query(qi):
            mm = jnp.full((_L,), g + qi, jnp.int32)
            qxv = plsc.load_gather(q_ref, [jnp.zeros((_L,), jnp.int32), mm])
            qyv = plsc.load_gather(q_ref, [jnp.ones((_L,), jnp.int32), mm])
            qzv = plsc.load_gather(q_ref, [jnp.full((_L,), 2, jnp.int32), mm])
            qxb = _bf16_round(qxv)
            qyb = _bf16_round(qyv)
            qzb = _bf16_round(qzv)
            yyv = qxv * qxv + qyv * qyv + qzv * qzv

            @plsc.parallel_loop(0, _N, step=_L, carry=inf16, unroll=4)
            def p1(i, m16):
                sl = pl.ds(i, _L)
                p0 = xb_ref[sl] * qxb
                p1v = yb_ref[sl] * qyb
                p2v = zb_ref[sl] * qzb
                s1 = p0 + p1v
                bv = s1 - p0
                e1 = (p0 - (s1 - bv)) + (p1v - bv)
                s2 = s1 + p2v
                cv = s2 - s1
                e2 = (s1 - (s2 - cv)) + (p2v - cv)
                t = s2 + (e1 + e2)
                d = (xx_ref[sl] + yyv) - 2.0 * t
                d_ref[sl] = d
                return jnp.minimum(m16, d)

            m16 = p1
            t0 = jnp.full((_L,), jnp.max(m16))

            def p2(i, carry):
                off, iv = carry
                d = d_ref[pl.ds(i * _L, _L)]
                msk = d <= t0
                pos = off + plsc.cumsum(jnp.where(msk, 1, 0)) - 1
                plsc.store_scatter(sd_ref, [pos], d, mask=msk)
                plsc.store_scatter(si_ref, [pos], iv, mask=msk)
                return off + plsc.all_reduce_population_count(msk), iv + _L

            off, _ = lax.fori_loop(0, _NV, p2, (zeros16i, iota))
            total = jnp.max(off)
            plsc.store_scatter(sd_ref, [off + iota], inf16)
            plsc.store_scatter(si_ref, [off + iota], zeros16i)

            def p3(i, carry):
                td, ti = carry
                cd = sd_ref[pl.ds(i * _L, _L)]
                ci = si_ref[pl.ds(i * _L, _L)]
                cd, ci = plsc.sort_key_val(cd, ci)
                rd = lax.rev(cd, (0,))
                ri = lax.rev(ci, (0,))
                keep = td <= rd
                ld = jnp.minimum(td, rd)
                li = jnp.where(keep, ti, ri)
                nd, ni = plsc.sort_key_val(ld, li)
                return nd, ni

            nvregs = (total + _L - 1) >> 4
            td, ti = lax.fori_loop(0, nvregs, p3, (inf16, zeros16i))

            even = iota ^ 1
            odd = jnp.clip(((iota - 1) ^ 1) + 1, 0, _L - 1)
            for prt in (even, odd, even):
                sd_ref[pl.ds(0, _L)] = td
                si_ref[pl.ds(0, _L)] = ti
                pd = plsc.load_gather(sd_ref, [prt])
                pi = plsc.load_gather(si_ref, [prt])
                tie = td == pd
                lo = iota < prt
                ti = jnp.where(tie, jnp.where(lo, jnp.minimum(ti, pi),
                                              jnp.maximum(ti, pi)), ti)

            stage_ref[0, qi] = plsc.load_gather(x_ref, [ti]) - qxv
            stage_ref[1, qi] = plsc.load_gather(y_ref, [ti]) - qyv
            stage_ref[2, qi] = plsc.load_gather(z_ref, [ti]) - qzv

            @pl.when(qi > 0)
            def _():
                pltpu.make_async_copy(
                    featsT.at[b].at[idx_ref.at[0]], fbuf_ref.at[0],
                    sem_f).wait()
                pq = jnp.full((_L,), (qi - 1) & 1, jnp.int32)

                @pl.loop(0, _C)
                def _chan(ch):
                    col = plsc.load_gather(
                        fbuf_ref, [pq, iota, jnp.full((_L,), ch)])
                    stage_ref[3 + ch, qi - 1] = col

            idx_ref[qi & 1, :] = ti
            pltpu.async_copy(
                featsT.at[b].at[idx_ref.at[qi & 1]], fbuf_ref.at[qi & 1],
                sem_f)

        pltpu.make_async_copy(
            featsT.at[b].at[idx_ref.at[0]], fbuf_ref.at[0], sem_f).wait()
        lastp = jnp.full((_L,), 1, jnp.int32)

        @pl.loop(0, _C)
        def _chan_last(ch):
            col = plsc.load_gather(
                fbuf_ref, [lastp, iota, jnp.full((_L,), ch)])
            stage_ref[3 + ch, _QG - 1] = col

        pltpu.sync_copy(
            stage_ref,
            out.at[pl.ds(b * _CH, _CH), pl.ds(q0 + g, _QG), :])


@jax.jit
def kernel(points, new_points, features):
    featsT = jnp.transpose(features, (0, 2, 1))
    mesh = plsc.VectorSubcoreMesh(core_axis_name="c", subcore_axis_name="s")
    run = pl.kernel(
        _sc_body,
        out_type=jax.ShapeDtypeStruct((_B * _CH, _M, _S), jnp.float32),
        mesh=mesh,
        compiler_params=pltpu.CompilerParams(
            use_tc_tiling_on_sc=False, needs_layout_passes=False),
        scratch_types=[
            pltpu.VMEM((_N,), jnp.float32),
            pltpu.VMEM((_N,), jnp.float32),
            pltpu.VMEM((_N,), jnp.float32),
            pltpu.VMEM((_N,), jnp.float32),
            pltpu.VMEM((_N,), jnp.float32),
            pltpu.VMEM((_N,), jnp.float32),
            pltpu.VMEM((_N,), jnp.float32),
            pltpu.VMEM((_N,), jnp.float32),
            pltpu.VMEM((_N + _L,), jnp.float32),
            pltpu.VMEM((_N + _L,), jnp.int32),
            pltpu.VMEM((2, _S, _C), jnp.float32),
            pltpu.VMEM((_CH, _QG, _S), jnp.float32),
            pltpu.VMEM((2, _S), jnp.int32),
            pltpu.VMEM((3, _QPW), jnp.float32),
            pltpu.SemaphoreType.DMA,
            pltpu.SemaphoreType.DMA,
        ],
    )
    out = run(points, new_points, featsT)
    return out.reshape(_B, _CH, _M, _S)

# --- scband reference (transcript-rebuilt; emitter-appended) ---
"""Pipeline reference for scband-group-81140522156683 (READ-ONLY COPY).

The authoritative reference and input builder live on the scoring server;
editing this copy changes nothing except your own understanding.
"""

import jax, jax.numpy as jnp
import numpy as np

B, N, M, C, S = 4, 8192, 2048, 64, 16


def setup_inputs(seed: int = 0) -> dict:
    key = jax.random.key(seed)
    k1, k2, k3 = jax.random.split(key, 3)
    points = jax.random.normal(k1, (B, 3, N), dtype=jnp.float32)
    new_points = jax.random.normal(k2, (B, 3, M), dtype=jnp.float32)
    features = jax.random.normal(k3, (B, C, N), dtype=jnp.float32)
    return {"points": points, "new_points": new_points, "features": features}


def reference(points, new_points, features):
    # points: [B,3,N], new_points: [B,3,M], features: [B,C,N]
    num_samples = S
    pts = jnp.transpose(points, (0, 2, 1))      # [B,N,3]
    feats = jnp.transpose(features, (0, 2, 1))  # [B,N,C]
    # pdist2squared: squared euclidean distance [B,N,M]
    xx = jnp.sum(points * points, axis=1)[:, :, None]          # [B,N,1]
    yy = jnp.sum(new_points * new_points, axis=1)[:, None, :]  # [B,1,M]
    xy = jnp.einsum('bdn,bdm->bnm', points, new_points)        # [B,N,M]
    dist = xx + yy - 2.0 * xy                                   # [B,N,M]
    # topk smallest along N (dim=1 in torch), then permute -> ind [B,M,S]
    d_t = jnp.transpose(dist, (0, 2, 1))                        # [B,M,N]
    _, ind = jax.lax.top_k(-d_t, num_samples)                   # [B,M,S]
    ind_flat = ind.reshape(ind.shape[0], -1)                    # [B,M*S]
    # gather_points(pts [B,N,3], ind [B,M,S]) -> [B,M,S,3]
    grouped_points = jnp.take_along_axis(pts, ind_flat[..., None], axis=1).reshape(B, M, num_samples, 3)
    # subtract query coords: new_points -> [B,M,1,3]
    np_t = jnp.transpose(new_points, (0, 2, 1))[:, :, None, :]
    grouped_points_new = grouped_points - np_t                  # [B,M,S,3]
    grouped_features = jnp.take_along_axis(feats, ind_flat[..., None], axis=1).reshape(B, M, num_samples, C)
    new_features = jnp.concatenate([grouped_points_new, grouped_features], axis=3)  # [B,M,S,3+C]
    return jnp.transpose(new_features, (0, 3, 1, 2))            # [B,3+C,M,S]

if __name__ == "__main__":
    import jax
    _d = setup_inputs()
    print(jax.jit(kernel)(*tuple(_d.values())))

</pallas_src>

<mosaic_0001>
#map = affine_map<(d0, d1) -> (0, 0, 0)>
module attributes {stable_mosaic.version = 14 : i64} {
  func.func @_sc_body(%arg0: i32, %arg1: i32, %arg2: memref<4x3x8192xf32, #tpu.memory_space<hbm>>, %arg3: memref<4x3x2048xf32, #tpu.memory_space<hbm>>, %arg4: memref<4x8192x64xf32, #tpu.memory_space<hbm>>, %arg5: memref<268x2048x16xf32, #tpu.memory_space<hbm>>, %arg6: memref<8192xf32, #tpu.memory_space<vmem>>, %arg7: memref<8192xf32, #tpu.memory_space<vmem>>, %arg8: memref<8192xf32, #tpu.memory_space<vmem>>, %arg9: memref<8192xf32, #tpu.memory_space<vmem>>, %arg10: memref<8192xf32, #tpu.memory_space<vmem>>, %arg11: memref<8192xf32, #tpu.memory_space<vmem>>, %arg12: memref<8192xf32, #tpu.memory_space<vmem>>, %arg13: memref<8192xf32, #tpu.memory_space<vmem>>, %arg14: memref<8208xf32, #tpu.memory_space<vmem>>, %arg15: memref<8208xi32, #tpu.memory_space<vmem>>, %arg16: memref<2x16x64xf32, #tpu.memory_space<vmem>>, %arg17: memref<67x16x16xf32, #tpu.memory_space<vmem>>, %arg18: memref<2x16xi32, #tpu.memory_space<vmem>>, %arg19: memref<3x256xf32, #tpu.memory_space<vmem>>, %arg20: memref<!tpu.dma_semaphore, #tpu.memory_space<semaphore_mem>>, %arg21: memref<!tpu.dma_semaphore, #tpu.memory_space<semaphore_mem>>) attributes {dimension_semantics = [#tpu.dimension_semantics<core_parallel>, #tpu.dimension_semantics<subcore_parallel>], iteration_bounds = array<i64: 2, 16>, scalar_prefetch = 0 : i64, scratch_operands = 16 : i64, tpu.core_type = #tpu.core_type<sc_vector_subcore>, window_params = [{transform_indices = #map}, {transform_indices = #map}, {transform_indices = #map}, {transform_indices = #map}]} {
    %mul3A = arith.constant 2 : i32
    %mul3A_0 = arith.muli %arg1, %mul3A : i32
    %add3A = arith.addi %mul3A_0, %arg0 : i32
    %jit3A = arith.constant 8 : i32
    %div3A = arith.divsi %add3A, %jit3A : i32
    %sign3A = arith.constant 0 : i32
    %sign3A_1 = arith.cmpi sgt, %add3A, %sign3A : i32
    %sign3A_2 = arith.extui %sign3A_1 : i1 to i32
    %sign3A_3 = arith.constant 0 : i32
    %sign3A_4 = arith.cmpi slt, %add3A, %sign3A_3 : i32
    %sign3A_5 = arith.extui %sign3A_4 : i1 to i32
    %sign3A_6 = arith.subi %sign3A_2, %sign3A_5 : i32
    %sign3A_7 = arith.constant 0 : i32
    %sign3A_8 = arith.cmpi sgt, %jit3A, %sign3A_7 : i32
    %sign3A_9 = arith.extui %sign3A_8 : i1 to i32
    %sign3A_10 = arith.constant 0 : i32
    %sign3A_11 = arith.cmpi slt, %jit3A, %sign3A_10 : i32
    %sign3A_12 = arith.extui %sign3A_11 : i1 to i32
    %sign3A_13 = arith.subi %sign3A_9, %sign3A_12 : i32
    %ne3A = arith.cmpi ne, %sign3A_6, %sign3A_13 : i32
    %rem3A = arith.remsi %add3A, %jit3A : i32
    %ne3A_14 = arith.constant 0 : i32
    %ne3A_15 = arith.cmpi ne, %rem3A, %ne3A_14 : i32
    %and3A = arith.andi %ne3A, %ne3A_15 : i1
    %sub3A = arith.constant 1 : i32
    %sub3A_16 = arith.subi %div3A, %sub3A : i32
    %select_n3A = arith.select %and3A, %sub3A_16, %div3A : i32
    %jit3A_17 = arith.constant 8 : i32
    %eq3A = arith.constant 0 : i32
    %eq3A_18 = arith.cmpi eq, %jit3A_17, %eq3A : i32
    %jit3A_19 = arith.constant 1 : i32
    %select_n3A_20 = arith.select %eq3A_18, %jit3A_19, %jit3A_17 : i32
    %rem3A_21 = arith.remsi %add3A, %select_n3A_20 : i32
    %ne3A_22 = arith.constant 0 : i32
    %ne3A_23 = arith.cmpi ne, %rem3A_21, %ne3A_22 : i32
    %lt3A = arith.constant 0 : i32
    %lt3A_24 = arith.cmpi slt, %rem3A_21, %lt3A : i32
    %lt3A_25 = arith.constant 0 : i32
    %lt3A_26 = arith.cmpi slt, %select_n3A_20, %lt3A_25 : i32
    %ne3A_27 = arith.xori %lt3A_24, %lt3A_26 : i1
    %and3A_28 = arith.andi %ne3A_27, %ne3A_23 : i1
    %add3A_29 = arith.addi %rem3A_21, %select_n3A_20 : i32
    %select_n3A_30 = arith.select %and3A_28, %add3A_29, %rem3A_21 : i32
    %mul3A_31 = arith.constant 256 : i32
    %mul3A_32 = arith.muli %select_n3A_30, %mul3A_31 : i32
    %run_scoped3A = arith.constant 0 : i32
    "tpu.region"() ({
      %run_scoped3A_50 = tpu.sem_alloc : memref<!tpu.dma_semaphore, #tpu.memory_space<semaphore_mem>>
      %dma_start3A = arith.constant 0 : i32
      %dma_start3A_51 = tpu.memref_slice %arg2[%select_n3A, %run_scoped3A, %dma_start3A] : memref<4x3x8192xf32, #tpu.memory_space<hbm>> -> memref<1x1x8192xf32, #tpu.memory_space<hbm>>
      %dma_start3A_52 = tpu.memref_squeeze %dma_start3A_51 : memref<1x1x8192xf32, #tpu.memory_space<hbm>> -> memref<8192xf32, #tpu.memory_space<hbm>>
      %dma_start3A_53 = arith.constant 0 : i32
      %dma_start3A_54 = tpu.memref_slice %arg2[%select_n3A, %run_scoped3A, %dma_start3A_53] : memref<4x3x8192xf32, #tpu.memory_space<hbm>> -> memref<1x1x8192xf32, #tpu.memory_space<hbm>>
      %dma_start3A_55 = tpu.memref_squeeze %dma_start3A_54 : memref<1x1x8192xf32, #tpu.memory_space<hbm>> -> memref<8192xf32, #tpu.memory_space<hbm>>
      tpu.enqueue_dma source(%dma_start3A_55 : memref<8192xf32, #tpu.memory_space<hbm>>) target(%arg6 : memref<8192xf32, #tpu.memory_space<vmem>>) target_semaphore(%run_scoped3A_50 : memref<!tpu.dma_semaphore, #tpu.memory_space<semaphore_mem>>)
      %dma_wait3A = arith.constant 0 : i32
      %dma_wait3A_56 = tpu.memref_slice %arg2[%select_n3A, %run_scoped3A, %dma_wait3A] : memref<4x3x8192xf32, #tpu.memory_space<hbm>> -> memref<1x1x8192xf32, #tpu.memory_space<hbm>>
      %dma_wait3A_57 = tpu.memref_squeeze %dma_wait3A_56 : memref<1x1x8192xf32, #tpu.memory_space<hbm>> -> memref<8192xf32, #tpu.memory_space<hbm>>
      %dma_wait3A_58 = arith.constant 0 : i32
      %dma_wait3A_59 = tpu.memref_slice %arg2[%select_n3A, %run_scoped3A, %dma_wait3A_58] : memref<4x3x8192xf32, #tpu.memory_space<hbm>> -> memref<1x1x8192xf32, #tpu.memory_space<hbm>>
      %dma_wait3A_60 = tpu.memref_squeeze %dma_wait3A_59 : memref<1x1x8192xf32, #tpu.memory_space<hbm>> -> memref<8192xf32, #tpu.memory_space<hbm>>
      tpu.wait_dma2 semaphore(%run_scoped3A_50 : memref<!tpu.dma_semaphore, #tpu.memory_space<semaphore_mem>>) src(%dma_wait3A_60 : memref<8192xf32, #tpu.memory_space<hbm>>) dst(%arg6 : memref<8192xf32, #tpu.memory_space<vmem>>)
      tpu.yield
    }) : () -> ()
    %run_scoped3A_33 = arith.constant 1 : i32
    "tpu.region"() ({
      %run_scoped3A_50 = tpu.sem_alloc : memref<!tpu.dma_semaphore, #tpu.memory_space<semaphore_mem>>
      %dma_start3A = arith.constant 0 : i32
      %dma_start3A_51 = tpu.memref_slice %arg2[%select_n3A, %run_scoped3A_33, %dma_start3A] : memref<4x3x8192xf32, #tpu.memory_space<hbm>> -> memref<1x1x8192xf32, #tpu.memory_space<hbm>>
      %dma_start3A_52 = tpu.memref_squeeze %dma_start3A_51 : memref<1x1x8192xf32, #tpu.memory_space<hbm>> -> memref<8192xf32, #tpu.memory_space<hbm>>
      %dma_start3A_53 = arith.constant 0 : i32
      %dma_start3A_54 = tpu.memref_slice %arg2[%select_n3A, %run_scoped3A_33, %dma_start3A_53] : memref<4x3x8192xf32, #tpu.memory_space<hbm>> -> memref<1x1x8192xf32, #tpu.memory_space<hbm>>
      %dma_start3A_55 = tpu.memref_squeeze %dma_start3A_54 : memref<1x1x8192xf32, #tpu.memory_space<hbm>> -> memref<8192xf32, #tpu.memory_space<hbm>>
      tpu.enqueue_dma source(%dma_start3A_55 : memref<8192xf32, #tpu.memory_space<hbm>>) target(%arg7 : memref<8192xf32, #tpu.memory_space<vmem>>) target_semaphore(%run_scoped3A_50 : memref<!tpu.dma_semaphore, #tpu.memory_space<semaphore_mem>>)
      %dma_wait3A = arith.constant 0 : i32
      %dma_wait3A_56 = tpu.memref_slice %arg2[%select_n3A, %run_scoped3A_33, %dma_wait3A] : memref<4x3x8192xf32, #tpu.memory_space<hbm>> -> memref<1x1x8192xf32, #tpu.memory_space<hbm>>
      %dma_wait3A_57 = tpu.memref_squeeze %dma_wait3A_56 : memref<1x1x8192xf32, #tpu.memory_space<hbm>> -> memref<8192xf32, #tpu.memory_space<hbm>>
      %dma_wait3A_58 = arith.constant 0 : i32
      %dma_wait3A_59 = tpu.memref_slice %arg2[%select_n3A, %run_scoped3A_33, %dma_wait3A_58] : memref<4x3x8192xf32, #tpu.memory_space<hbm>> -> memref<1x1x8192xf32, #tpu.memory_space<hbm>>
      %dma_wait3A_60 = tpu.memref_squeeze %dma_wait3A_59 : memref<1x1x8192xf32, #tpu.memory_space<hbm>> -> memref<8192xf32, #tpu.memory_space<hbm>>
      tpu.wait_dma2 semaphore(%run_scoped3A_50 : memref<!tpu.dma_semaphore, #tpu.memory_space<semaphore_mem>>) src(%dma_wait3A_60 : memref<8192xf32, #tpu.memory_space<hbm>>) dst(%arg7 : memref<8192xf32, #tpu.memory_space<vmem>>)
      tpu.yield
    }) : () -> ()
    %run_scoped3A_34 = arith.constant 2 : i32
    "tpu.region"() ({
      %run_scoped3A_50 = tpu.sem_alloc : memref<!tpu.dma_semaphore, #tpu.memory_space<semaphore_mem>>
      %dma_start3A = arith.constant 0 : i32
      %dma_start3A_51 = tpu.memref_slice %arg2[%select_n3A, %run_scoped3A_34, %dma_start3A] : memref<4x3x8192xf32, #tpu.memory_space<hbm>> -> memref<1x1x8192xf32, #tpu.memory_space<hbm>>
      %dma_start3A_52 = tpu.memref_squeeze %dma_start3A_51 : memref<1x1x8192xf32, #tpu.memory_space<hbm>> -> memref<8192xf32, #tpu.memory_space<hbm>>
      %dma_start3A_53 = arith.constant 0 : i32
      %dma_start3A_54 = tpu.memref_slice %arg2[%select_n3A, %run_scoped3A_34, %dma_start3A_53] : memref<4x3x8192xf32, #tpu.memory_space<hbm>> -> memref<1x1x8192xf32, #tpu.memory_space<hbm>>
      %dma_start3A_55 = tpu.memref_squeeze %dma_start3A_54 : memref<1x1x8192xf32, #tpu.memory_space<hbm>> -> memref<8192xf32, #tpu.memory_space<hbm>>
      tpu.enqueue_dma source(%dma_start3A_55 : memref<8192xf32, #tpu.memory_space<hbm>>) target(%arg8 : memref<8192xf32, #tpu.memory_space<vmem>>) target_semaphore(%run_scoped3A_50 : memref<!tpu.dma_semaphore, #tpu.memory_space<semaphore_mem>>)
      %dma_wait3A = arith.constant 0 : i32
      %dma_wait3A_56 = tpu.memref_slice %arg2[%select_n3A, %run_scoped3A_34, %dma_wait3A] : memref<4x3x8192xf32, #tpu.memory_space<hbm>> -> memref<1x1x8192xf32, #tpu.memory_space<hbm>>
      %dma_wait3A_57 = tpu.memref_squeeze %dma_wait3A_56 : memref<1x1x8192xf32, #tpu.memory_space<hbm>> -> memref<8192xf32, #tpu.memory_space<hbm>>
      %dma_wait3A_58 = arith.constant 0 : i32
      %dma_wait3A_59 = tpu.memref_slice %arg2[%select_n3A, %run_scoped3A_34, %dma_wait3A_58] : memref<4x3x8192xf32, #tpu.memory_space<hbm>> -> memref<1x1x8192xf32, #tpu.memory_space<hbm>>
      %dma_wait3A_60 = tpu.memref_squeeze %dma_wait3A_59 : memref<1x1x8192xf32, #tpu.memory_space<hbm>> -> memref<8192xf32, #tpu.memory_space<hbm>>
      tpu.wait_dma2 semaphore(%run_scoped3A_50 : memref<!tpu.dma_semaphore, #tpu.memory_space<semaphore_mem>>) src(%dma_wait3A_60 : memref<8192xf32, #tpu.memory_space<hbm>>) dst(%arg8 : memref<8192xf32, #tpu.memory_space<vmem>>)
      tpu.yield
    }) : () -> ()
    "tpu.region"() ({
      %run_scoped3A_50 = tpu.sem_alloc : memref<!tpu.dma_semaphore, #tpu.memory_space<semaphore_mem>>
      %dma_start3A = arith.constant 0 : i32
      %dma_start3A_51 = tpu.memref_slice %arg3[%select_n3A, %dma_start3A, %mul3A_32] : memref<4x3x2048xf32, #tpu.memory_space<hbm>> -> memref<1x3x256xf32, #tpu.memory_space<hbm>>
      %dma_start3A_52 = tpu.memref_squeeze %dma_start3A_51 : memref<1x3x256xf32, #tpu.memory_space<hbm>> -> memref<3x256xf32, #tpu.memory_space<hbm>>
      %dma_start3A_53 = arith.constant 0 : i32
      %dma_start3A_54 = tpu.memref_slice %arg3[%select_n3A, %dma_start3A_53, %mul3A_32] : memref<4x3x2048xf32, #tpu.memory_space<hbm>> -> memref<1x3x256xf32, #tpu.memory_space<hbm>>
      %dma_start3A_55 = tpu.memref_squeeze %dma_start3A_54 : memref<1x3x256xf32, #tpu.memory_space<hbm>> -> memref<3x256xf32, #tpu.memory_space<hbm>>
      tpu.enqueue_dma source(%dma_start3A_55 : memref<3x256xf32, #tpu.memory_space<hbm>>) target(%arg19 : memref<3x256xf32, #tpu.memory_space<vmem>>) target_semaphore(%run_scoped3A_50 : memref<!tpu.dma_semaphore, #tpu.memory_space<semaphore_mem>>)
      %dma_wait3A = arith.constant 0 : i32
      %dma_wait3A_56 = tpu.memref_slice %arg3[%select_n3A, %dma_wait3A, %mul3A_32] : memref<4x3x2048xf32, #tpu.memory_space<hbm>> -> memref<1x3x256xf32, #tpu.memory_space<hbm>>
      %dma_wait3A_57 = tpu.memref_squeeze %dma_wait3A_56 : memref<1x3x256xf32, #tpu.memory_space<hbm>> -> memref<3x256xf32, #tpu.memory_space<hbm>>
      %dma_wait3A_58 = arith.constant 0 : i32
      %dma_wait3A_59 = tpu.memref_slice %arg3[%select_n3A, %dma_wait3A_58, %mul3A_32] : memref<4x3x2048xf32, #tpu.memory_space<hbm>> -> memref<1x3x256xf32, #tpu.memory_space<hbm>>
      %dma_wait3A_60 = tpu.memref_squeeze %dma_wait3A_59 : memref<1x3x256xf32, #tpu.memory_space<hbm>> -> memref<3x256xf32, #tpu.memory_space<hbm>>
      tpu.wait_dma2 semaphore(%run_scoped3A_50 : memref<!tpu.dma_semaphore, #tpu.memory_space<semaphore_mem>>) src(%dma_wait3A_60 : memref<3x256xf32, #tpu.memory_space<hbm>>) dst(%arg19 : memref<3x256xf32, #tpu.memory_space<vmem>>)
      tpu.yield
    }) : () -> ()
    %scan3A = arith.constant 0 : i32
    %scan3A_35 = arith.constant 512 : i32
    %scan3A_36 = arith.addi %scan3A, %scan3A_35 : i32
    %scan3A_37 = arith.constant 1 : i32
    scf.for %scan3A_50 = %scan3A to %scan3A_36 step %scan3A_37  : i32 {
      %mul3A_51 = arith.constant 1 : i32
      %mul3A_52 = arith.muli %scan3A_50, %mul3A_51 : i32
      %add3A_53 = arith.constant 0 : i32
      %add3A_54 = arith.addi %add3A_53, %mul3A_52 : i32
      %mul3A_55 = arith.constant 16 : i32
      %mul3A_56 = arith.muli %add3A_54, %mul3A_55 : i32
      %get3A = arith.index_cast %mul3A_56 : i32 to index
      %get3A_57 = tpu.vector_load %arg6[%get3A] {strides = array<i32>} : memref<8192xf32, #tpu.memory_space<vmem>>, vector<16xf32>,
      %get3A_58 = arith.index_cast %mul3A_56 : i32 to index
      %get3A_59 = tpu.vector_load %arg7[%get3A_58] {strides = array<i32>} : memref<8192xf32, #tpu.memory_space<vmem>>, vector<16xf32>,
      %get3A_60 = arith.index_cast %mul3A_56 : i32 to index
      %get3A_61 = tpu.vector_load %arg8[%get3A_60] {strides = array<i32>} : memref<8192xf32, #tpu.memory_space<vmem>>, vector<16xf32>,
      %mul3A_62 = arith.mulf %get3A_57, %get3A_57 : vector<16xf32>
      %mul3A_63 = arith.mulf %get3A_59, %get3A_59 : vector<16xf32>
      %add3A_64 = arith.addf %mul3A_62, %mul3A_63 : vector<16xf32>
      %mul3A_65 = arith.mulf %get3A_61, %get3A_61 : vector<16xf32>
      %add3A_66 = arith.addf %add3A_64, %mul3A_65 : vector<16xf32>
      %swap3A = arith.index_cast %mul3A_56 : i32 to index
      %swap3A_67 = tpu.vector_load %arg12[%swap3A] {strides = array<i32>} : memref<8192xf32, #tpu.memory_space<vmem>>, vector<16xf32>,
      tpu.vector_store %arg12[%swap3A], %add3A_66 {strides = array<i32>} : memref<8192xf32, #tpu.memory_space<vmem>>, vector<16xf32>,
      %bitcast3A = vector.bitcast %get3A_57 : vector<16xf32> to vector<16xi32>
      %add3A_68 = arith.constant 32767 : i32
      %add3A_69 = vector.broadcast %add3A_68 : i32 to vector<16xi32>
      %add3A_70 = arith.addi %bitcast3A, %add3A_69 : vector<16xi32>
      %shift_right_arithmetic3A = arith.constant 16 : i32
      %shift_right_arithmetic3A_71 = vector.broadcast %shift_right_arithmetic3A : i32 to vector<16xi32>
      %shift_right_arithmetic3A_72 = arith.shrsi %bitcast3A, %shift_right_arithmetic3A_71 : vector<16xi32>
      %and3A_73 = arith.constant 1 : i32
      %and3A_74 = vector.broadcast %and3A_73 : i32 to vector<16xi32>
      %and3A_75 = arith.andi %shift_right_arithmetic3A_72, %and3A_74 : vector<16xi32>
      %add3A_76 = arith.addi %add3A_70, %and3A_75 : vector<16xi32>
      %and3A_77 = arith.constant -65536 : i32
      %and3A_78 = vector.broadcast %and3A_77 : i32 to vector<16xi32>
      %and3A_79 = arith.andi %add3A_76, %and3A_78 : vector<16xi32>
      %bitcast3A_80 = vector.bitcast %and3A_79 : vector<16xi32> to vector<16xf32>
      %swap3A_81 = arith.index_cast %mul3A_56 : i32 to index
      %swap3A_82 = tpu.vector_load %arg9[%swap3A_81] {strides = array<i32>} : memref<8192xf32, #tpu.memory_space<vmem>>, vector<16xf32>,
      tpu.vector_store %arg9[%swap3A_81], %bitcast3A_80 {strides = array<i32>} : memref<8192xf32, #tpu.memory_space<vmem>>, vector<16xf32>,
      %bitcast3A_83 = vector.bitcast %get3A_59 : vector<16xf32> to vector<16xi32>
      %add3A_84 = arith.constant 32767 : i32
      %add3A_85 = vector.broadcast %add3A_84 : i32 to vector<16xi32>
      %add3A_86 = arith.addi %bitcast3A_83, %add3A_85 : vector<16xi32>
      %shift_right_arithmetic3A_87 = arith.constant 16 : i32
      %shift_right_arithmetic3A_88 = vector.broadcast %shift_right_arithmetic3A_87 : i32 to vector<16xi32>
      %shift_right_arithmetic3A_89 = arith.shrsi %bitcast3A_83, %shift_right_arithmetic3A_88 : vector<16xi32>
      %and3A_90 = arith.constant 1 : i32
      %and3A_91 = vector.broadcast %and3A_90 : i32 to vector<16xi32>
      %and3A_92 = arith.andi %shift_right_arithmetic3A_89, %and3A_91 : vector<16xi32>
      %add3A_93 = arith.addi %add3A_86, %and3A_92 : vector<16xi32>
      %and3A_94 = arith.constant -65536 : i32
      %and3A_95 = vector.broadcast %and3A_94 : i32 to vector<16xi32>
      %and3A_96 = arith.andi %add3A_93, %and3A_95 : vector<16xi32>
      %bitcast3A_97 = vector.bitcast %and3A_96 : vector<16xi32> to vector<16xf32>
      %swap3A_98 = arith.index_cast %mul3A_56 : i32 to index
      %swap3A_99 = tpu.vector_load %arg10[%swap3A_98] {strides = array<i32>} : memref<8192xf32, #tpu.memory_space<vmem>>, vector<16xf32>,
      tpu.vector_store %arg10[%swap3A_98], %bitcast3A_97 {strides = array<i32>} : memref<8192xf32, #tpu.memory_space<vmem>>, vector<16xf32>,
      %bitcast3A_100 = vector.bitcast %get3A_61 : vector<16xf32> to vector<16xi32>
      %add3A_101 = arith.constant 32767 : i32
      %add3A_102 = vector.broadcast %add3A_101 : i32 to vector<16xi32>
      %add3A_103 = arith.addi %bitcast3A_100, %add3A_102 : vector<16xi32>
      %shift_right_arithmetic3A_104 = arith.constant 16 : i32
      %shift_right_arithmetic3A_105 = vector.broadcast %shift_right_arithmetic3A_104 : i32 to vector<16xi32>
      %shift_right_arithmetic3A_106 = arith.shrsi %bitcast3A_100, %shift_right_arithmetic3A_105 : vector<16xi32>
      %and3A_107 = arith.constant 1 : i32
      %and3A_108 = vector.broadcast %and3A_107 : i32 to vector<16xi32>
      %and3A_109 = arith.andi %shift_right_arithmetic3A_106, %and3A_108 : vector<16xi32>
      %add3A_110 = arith.addi %add3A_103, %and3A_109 : vector<16xi32>
      %and3A_111 = arith.constant -65536 : i32
      %and3A_112 = vector.broadcast %and3A_111 : i32 to vector<16xi32>
      %and3A_113 = arith.andi %add3A_110, %and3A_112 : vector<16xi32>
      %bitcast3A_114 = vector.bitcast %and3A_113 : vector<16xi32> to vector<16xf32>
      %swap3A_115 = arith.index_cast %mul3A_56 : i32 to index
      %swap3A_116 = tpu.vector_load %arg11[%swap3A_115] {strides = array<i32>} : memref<8192xf32, #tpu.memory_space<vmem>>, vector<16xf32>,
      tpu.vector_store %arg11[%swap3A_115], %bitcast3A_114 {strides = array<i32>} : memref<8192xf32, #tpu.memory_space<vmem>>, vector<16xf32>,
    }
    %scan3A_38 = arith.constant 512 : i32
    %iota3A = tpu.iota {dimensions = array<i32: 0>} : vector<16xi32>
    %broadcast_in_dim3A = arith.constant 0x7F800000 : f32
    %broadcast_in_dim3A_39 = vector.broadcast %broadcast_in_dim3A : f32 to vector<16xf32>
    %broadcast_in_dim3A_40 = arith.constant 0 : i32
    %broadcast_in_dim3A_41 = vector.broadcast %broadcast_in_dim3A_40 : i32 to vector<16xi32>
    %mul3A_42 = arith.constant 64 : i32
    %mul3A_43 = vector.broadcast %mul3A_42 : i32 to vector<16xi32>
    %mul3A_44 = arith.muli %iota3A, %mul3A_43 : vector<16xi32>
    %scan3A_45 = arith.constant 0 : i32
    %scan3A_46 = arith.constant 16 : i32
    %scan3A_47 = arith.addi %scan3A_45, %scan3A_46 : i32
    %scan3A_48 = arith.constant 1 : i32
    scf.for %scan3A_50 = %scan3A_45 to %scan3A_47 step %scan3A_48  : i32 {
      %mul3A_51 = arith.constant 16 : i32
      %mul3A_52 = arith.muli %scan3A_50, %mul3A_51 : i32
      %add3A_53 = arith.constant 0 : i32
      %add3A_54 = arith.addi %add3A_53, %mul3A_52 : i32
      %scan3A_55 = arith.constant 0 : i32
      %scan3A_56 = arith.constant 16 : i32
      %scan3A_57 = arith.addi %scan3A_55, %scan3A_56 : i32
      %scan3A_58 = arith.constant 1 : i32
      scf.for %scan3A_85 = %scan3A_55 to %scan3A_57 step %scan3A_58  : i32 {
        %mul3A_86 = arith.constant 1 : i32
        %mul3A_87 = arith.muli %scan3A_85, %mul3A_86 : i32
        %add3A_88 = arith.constant 0 : i32
        %add3A_89 = arith.addi %add3A_88, %mul3A_87 : i32
        %add3A_90 = arith.addi %add3A_54, %add3A_89 : i32
        %broadcast_in_dim3A_91 = vector.broadcast %add3A_90 : i32 to vector<16xi32>
        %broadcast_in_dim3A_92 = arith.constant 0 : i32
        %broadcast_in_dim3A_93 = vector.broadcast %broadcast_in_dim3A_92 : i32 to vector<16xi32>
        %gather3A = tpu.vector_load_idx %arg19[%broadcast_in_dim3A_93, %broadcast_in_dim3A_91] : memref<3x256xf32, #tpu.memory_space<vmem>>[vector<16xi32>, vector<16xi32>], vector<16xf32>,
        %broadcast_in_dim3A_94 = arith.constant 1 : i32
        %broadcast_in_dim3A_95 = vector.broadcast %broadcast_in_dim3A_94 : i32 to vector<16xi32>
        %gather3A_96 = tpu.vector_load_idx %arg19[%broadcast_in_dim3A_95, %broadcast_in_dim3A_91] : memref<3x256xf32, #tpu.memory_space<vmem>>[vector<16xi32>, vector<16xi32>], vector<16xf32>,
        %broadcast_in_dim3A_97 = arith.constant 2 : i32
        %broadcast_in_dim3A_98 = vector.broadcast %broadcast_in_dim3A_97 : i32 to vector<16xi32>
        %gather3A_99 = tpu.vector_load_idx %arg19[%broadcast_in_dim3A_98, %broadcast_in_dim3A_91] : memref<3x256xf32, #tpu.memory_space<vmem>>[vector<16xi32>, vector<16xi32>], vector<16xf32>,
        %bitcast3A = vector.bitcast %gather3A : vector<16xf32> to vector<16xi32>
        %add3A_100 = arith.constant 32767 : i32
        %add3A_101 = vector.broadcast %add3A_100 : i32 to vector<16xi32>
        %add3A_102 = arith.addi %bitcast3A, %add3A_101 : vector<16xi32>
        %shift_right_arithmetic3A = arith.constant 16 : i32
        %shift_right_arithmetic3A_103 = vector.broadcast %shift_right_arithmetic3A : i32 to vector<16xi32>
        %shift_right_arithmetic3A_104 = arith.shrsi %bitcast3A, %shift_right_arithmetic3A_103 : vector<16xi32>
        %and3A_105 = arith.constant 1 : i32
        %and3A_106 = vector.broadcast %and3A_105 : i32 to vector<16xi32>
        %and3A_107 = arith.andi %shift_right_arithmetic3A_104, %and3A_106 : vector<16xi32>
        %add3A_108 = arith.addi %add3A_102, %and3A_107 : vector<16xi32>
        %and3A_109 = arith.constant -65536 : i32
        %and3A_110 = vector.broadcast %and3A_109 : i32 to vector<16xi32>
        %and3A_111 = arith.andi %add3A_108, %and3A_110 : vector<16xi32>
        %bitcast3A_112 = vector.bitcast %and3A_111 : vector<16xi32> to vector<16xf32>
        %bitcast3A_113 = vector.bitcast %gather3A_96 : vector<16xf32> to vector<16xi32>
        %add3A_114 = arith.constant 32767 : i32
        %add3A_115 = vector.broadcast %add3A_114 : i32 to vector<16xi32>
        %add3A_116 = arith.addi %bitcast3A_113, %add3A_115 : vector<16xi32>
        %shift_right_arithmetic3A_117 = arith.constant 16 : i32
        %shift_right_arithmetic3A_118 = vector.broadcast %shift_right_arithmetic3A_117 : i32 to vector<16xi32>
        %shift_right_arithmetic3A_119 = arith.shrsi %bitcast3A_113, %shift_right_arithmetic3A_118 : vector<16xi32>
        %and3A_120 = arith.constant 1 : i32
        %and3A_121 = vector.broadcast %and3A_120 : i32 to vector<16xi32>
        %and3A_122 = arith.andi %shift_right_arithmetic3A_119, %and3A_121 : vector<16xi32>
        %add3A_123 = arith.addi %add3A_116, %and3A_122 : vector<16xi32>
        %and3A_124 = arith.constant -65536 : i32
        %and3A_125 = vector.broadcast %and3A_124 : i32 to vector<16xi32>
        %and3A_126 = arith.andi %add3A_123, %and3A_125 : vector<16xi32>
        %bitcast3A_127 = vector.bitcast %and3A_126 : vector<16xi32> to vector<16xf32>
        %bitcast3A_128 = vector.bitcast %gather3A_99 : vector<16xf32> to vector<16xi32>
        %add3A_129 = arith.constant 32767 : i32
        %add3A_130 = vector.broadcast %add3A_129 : i32 to vector<16xi32>
        %add3A_131 = arith.addi %bitcast3A_128, %add3A_130 : vector<16xi32>
        %shift_right_arithmetic3A_132 = arith.constant 16 : i32
        %shift_right_arithmetic3A_133 = vector.broadcast %shift_right_arithmetic3A_132 : i32 to vector<16xi32>
        %shift_right_arithmetic3A_134 = arith.shrsi %bitcast3A_128, %shift_right_arithmetic3A_133 : vector<16xi32>
        %and3A_135 = arith.constant 1 : i32
        %and3A_136 = vector.broadcast %and3A_135 : i32 to vector<16xi32>
        %and3A_137 = arith.andi %shift_right_arithmetic3A_134, %and3A_136 : vector<16xi32>
        %add3A_138 = arith.addi %add3A_131, %and3A_137 : vector<16xi32>
        %and3A_139 = arith.constant -65536 : i32
        %and3A_140 = vector.broadcast %and3A_139 : i32 to vector<16xi32>
        %and3A_141 = arith.andi %add3A_138, %and3A_140 : vector<16xi32>
        %bitcast3A_142 = vector.bitcast %and3A_141 : vector<16xi32> to vector<16xf32>
        %mul3A_143 = arith.mulf %gather3A, %gather3A : vector<16xf32>
        %mul3A_144 = arith.mulf %gather3A_96, %gather3A_96 : vector<16xf32>
        %add3A_145 = arith.addf %mul3A_143, %mul3A_144 : vector<16xf32>
        %mul3A_146 = arith.mulf %gather3A_99, %gather3A_99 : vector<16xf32>
        %add3A_147 = arith.addf %add3A_145, %mul3A_146 : vector<16xf32>
        %parallel_loop3A = arith.constant 0 : i32
        %parallel_loop3A_148 = arith.constant 8192 : i32
        %parallel_loop3A_149 = arith.constant 16 : i32
        %parallel_loop3A_150 = scf.for %parallel_loop3A_282 = %parallel_loop3A to %parallel_loop3A_148 step %parallel_loop3A_149 iter_args(%parallel_loop3A_283 = %broadcast_in_dim3A_39) -> (vector<16xf32>)  : i32 {
          %parallel_loop3A_284 = arith.index_cast %parallel_loop3A_282 : i32 to index
          %parallel_loop3A_285 = tpu.vector_load %arg9[%parallel_loop3A_284] {strides = array<i32>} : memref<8192xf32, #tpu.memory_space<vmem>>, vector<16xf32>,
          %parallel_loop3A_286 = arith.mulf %parallel_loop3A_285, %bitcast3A_112 : vector<16xf32>
          %parallel_loop3A_287 = arith.index_cast %parallel_loop3A_282 : i32 to index
          %parallel_loop3A_288 = tpu.vector_load %arg10[%parallel_loop3A_287] {strides = array<i32>} : memref<8192xf32, #tpu.memory_space<vmem>>, vector<16xf32>,
          %parallel_loop3A_289 = arith.mulf %parallel_loop3A_288, %bitcast3A_127 : vector<16xf32>
          %parallel_loop3A_290 = arith.index_cast %parallel_loop3A_282 : i32 to index
          %parallel_loop3A_291 = tpu.vector_load %arg11[%parallel_loop3A_290] {strides = array<i32>} : memref<8192xf32, #tpu.memory_space<vmem>>, vector<16xf32>,
          %parallel_loop3A_292 = arith.mulf %parallel_loop3A_291, %bitcast3A_142 : vector<16xf32>
          %parallel_loop3A_293 = arith.addf %parallel_loop3A_286, %parallel_loop3A_289 : vector<16xf32>
          %parallel_loop3A_294 = arith.subf %parallel_loop3A_293, %parallel_loop3A_286 : vector<16xf32>
          %parallel_loop3A_295 = arith.subf %parallel_loop3A_293, %parallel_loop3A_294 : vector<16xf32>
          %parallel_loop3A_296 = arith.subf %parallel_loop3A_286, %parallel_loop3A_295 : vector<16xf32>
          %parallel_loop3A_297 = arith.subf %parallel_loop3A_289, %parallel_loop3A_294 : vector<16xf32>
          %parallel_loop3A_298 = arith.addf %parallel_loop3A_296, %parallel_loop3A_297 : vector<16xf32>
          %parallel_loop3A_299 = arith.addf %parallel_loop3A_293, %parallel_loop3A_292 : vector<16xf32>
          %parallel_loop3A_300 = arith.subf %parallel_loop3A_299, %parallel_loop3A_293 : vector<16xf32>
          %parallel_loop3A_301 = arith.subf %parallel_loop3A_299, %parallel_loop3A_300 : vector<16xf32>
          %parallel_loop3A_302 = arith.subf %parallel_loop3A_293, %parallel_loop3A_301 : vector<16xf32>
          %parallel_loop3A_303 = arith.subf %parallel_loop3A_292, %parallel_loop3A_300 : vector<16xf32>
          %parallel_loop3A_304 = arith.addf %parallel_loop3A_302, %parallel_loop3A_303 : vector<16xf32>
          %parallel_loop3A_305 = arith.addf %parallel_loop3A_298, %parallel_loop3A_304 : vector<16xf32>
          %parallel_loop3A_306 = arith.addf %parallel_loop3A_299, %parallel_loop3A_305 : vector<16xf32>
          %parallel_loop3A_307 = arith.index_cast %parallel_loop3A_282 : i32 to index
          %parallel_loop3A_308 = tpu.vector_load %arg12[%parallel_loop3A_307] {strides = array<i32>} : memref<8192xf32, #tpu.memory_space<vmem>>, vector<16xf32>,
          %parallel_loop3A_309 = arith.addf %parallel_loop3A_308, %add3A_147 : vector<16xf32>
          %parallel_loop3A_310 = arith.constant 2.000000e+00 : f32
          %parallel_loop3A_311 = vector.broadcast %parallel_loop3A_310 : f32 to vector<16xf32>
          %parallel_loop3A_312 = arith.mulf %parallel_loop3A_311, %parallel_loop3A_306 : vector<16xf32>
          %parallel_loop3A_313 = arith.subf %parallel_loop3A_309, %parallel_loop3A_312 : vector<16xf32>
          %parallel_loop3A_314 = arith.index_cast %parallel_loop3A_282 : i32 to index
          %parallel_loop3A_315 = tpu.vector_load %arg13[%parallel_loop3A_314] {strides = array<i32>} : memref<8192xf32, #tpu.memory_space<vmem>>, vector<16xf32>,
          tpu.vector_store %arg13[%parallel_loop3A_314], %parallel_loop3A_313 {strides = array<i32>} : memref<8192xf32, #tpu.memory_space<vmem>>, vector<16xf32>,
          %parallel_loop3A_316 = arith.minimumf %parallel_loop3A_283, %parallel_loop3A_313 : vector<16xf32>
          scf.yield %parallel_loop3A_316 : vector<16xf32>
        } {sc.loop_unroll_factor = 4 : i64, sc.parallel_access}
        %reduce_max3A = arith.constant true
        %reduce_max3A_151 = vector.broadcast %reduce_max3A : i1 to vector<16xi1>
        %reduce_max3A_152 = tpu.scan <max>, %parallel_loop3A_150 masked %reduce_max3A_151 : vector<16xf32>, vector<16xi1> -> vector<16xf32>
        %reduce_max3A_153 = vector.extract %reduce_max3A_152[15] : f32 from vector<16xf32>
        %broadcast_in_dim3A_154 = vector.broadcast %reduce_max3A_153 : f32 to vector<16xf32>
        %scan3A_155 = arith.constant 0 : i32
        %scan3A_156 = arith.constant 512 : i32
        %scan3A_157 = arith.addi %scan3A_155, %scan3A_156 : i32
        %scan3A_158 = arith.constant 1 : i32
        %scan3A_159:2 = scf.for %scan3A_282 = %scan3A_155 to %scan3A_157 step %scan3A_158 iter_args(%scan3A_283 = %broadcast_in_dim3A_41, %scan3A_284 = %iota3A) -> (vector<16xi32>, vector<16xi32>)  : i32 {
          %mul3A_285 = arith.constant 16 : i32
          %mul3A_286 = arith.muli %scan3A_282, %mul3A_285 : i32
          %get3A = arith.index_cast %mul3A_286 : i32 to index
          %get3A_287 = tpu.vector_load %arg13[%get3A] {strides = array<i32>} : memref<8192xf32, #tpu.memory_space<vmem>>, vector<16xf32>,
          %le3A = arith.cmpf ole, %get3A_287, %broadcast_in_dim3A_154 : vector<16xf32>
          %jit3A_288 = arith.constant 1 : i32
          %jit3A_289 = arith.constant 0 : i32
          %broadcast_in_dim3A_290 = vector.broadcast %jit3A_288 : i32 to vector<16xi32>
          %broadcast_in_dim3A_291 = vector.broadcast %jit3A_289 : i32 to vector<16xi32>
          %select_n3A_292 = arith.select %le3A, %broadcast_in_dim3A_290, %broadcast_in_dim3A_291 : vector<16xi1>, vector<16xi32>
          %broadcast_in_dim3A_293 = arith.constant true
          %broadcast_in_dim3A_294 = vector.broadcast %broadcast_in_dim3A_293 : i1 to vector<16xi1>
          %masked_cumsum3A = tpu.scan <sum>, %select_n3A_292 masked %broadcast_in_dim3A_294 : vector<16xi32>, vector<16xi1> -> vector<16xi32>
          %add3A_295 = arith.addi %scan3A_283, %masked_cumsum3A : vector<16xi32>
          %sub3A_296 = arith.constant 1 : i32
          %sub3A_297 = vector.broadcast %sub3A_296 : i32 to vector<16xi32>
          %sub3A_298 = arith.subi %add3A_295, %sub3A_297 : vector<16xi32>
          tpu.vector_store_idx %arg14[%sub3A_298], %get3A_287 masked %le3A : memref<8208xf32, #tpu.memory_space<vmem>>[vector<16xi32>], vector<16xf32>, vector<16xi1>
          tpu.vector_store_idx %arg15[%sub3A_298], %scan3A_284 masked %le3A : memref<8208xi32, #tpu.memory_space<vmem>>[vector<16xi32>], vector<16xi32>, vector<16xi1>
          %all_reduce_population_count3A = tpu.all_reduce %le3A {dim = 0 : i64, kind = #tpu.reduction_kind<sum>} : vector<16xi1> -> vector<16xi32>
          %add3A_299 = arith.addi %scan3A_283, %all_reduce_population_count3A : vector<16xi32>
          %add3A_300 = arith.constant 16 : i32
          %add3A_301 = vector.broadcast %add3A_300 : i32 to vector<16xi32>
          %add3A_302 = arith.addi %scan3A_284, %add3A_301 : vector<16xi32>
          scf.yield %add3A_299, %add3A_302 : vector<16xi32>, vector<16xi32>
        }
        %scan3A_160 = arith.constant 512 : i32
        %reduce_max3A_161 = arith.constant true
        %reduce_max3A_162 = vector.broadcast %reduce_max3A_161 : i1 to vector<16xi1>
        %reduce_max3A_163 = arith.constant -2147483648 : i32
        %reduce_max3A_164 = vector.broadcast %reduce_max3A_163 : i32 to vector<16xi32>
        %reduce_max3A_165 = arith.xori %scan3A_159#0, %reduce_max3A_164 : vector<16xi32>
        %reduce_max3A_166 = tpu.scan <max>, %reduce_max3A_165 masked %reduce_max3A_162 : vector<16xi32>, vector<16xi1> -> vector<16xi32>
        %reduce_max3A_167 = arith.xori %reduce_max3A_166, %reduce_max3A_164 : vector<16xi32>
        %reduce_max3A_168 = vector.extract %reduce_max3A_167[15] : i32 from vector<16xi32>
        %add3A_169 = arith.addi %scan3A_159#0, %iota3A : vector<16xi32>
        tpu.vector_store_idx %arg14[%add3A_169], %broadcast_in_dim3A_39 : memref<8208xf32, #tpu.memory_space<vmem>>[vector<16xi32>], vector<16xf32>,
        %add3A_170 = arith.addi %scan3A_159#0, %iota3A : vector<16xi32>
        tpu.vector_store_idx %arg15[%add3A_170], %broadcast_in_dim3A_41 : memref<8208xi32, #tpu.memory_space<vmem>>[vector<16xi32>], vector<16xi32>,
        %add3A_171 = arith.constant 16 : i32
        %add3A_172 = arith.addi %reduce_max3A_168, %add3A_171 : i32
        %sub3A_173 = arith.constant 1 : i32
        %sub3A_174 = arith.subi %add3A_172, %sub3A_173 : i32
        %shift_right_arithmetic3A_175 = arith.constant 4 : i32
        %shift_right_arithmetic3A_176 = arith.shrsi %sub3A_174, %shift_right_arithmetic3A_175 : i32
        %while3A = arith.constant 0 : i32
        %while3A_177 = arith.subi %shift_right_arithmetic3A_176, %while3A : i32
        %while3A_178 = arith.addi %while3A, %while3A_177 : i32
        %while3A_179 = arith.constant 1 : i32
        %while3A_180 = arith.divsi %while3A_177, %while3A_179 : i32
        %while3A_181 = arith.muli %while3A_180, %while3A_179 : i32
        %while3A_182 = arith.addi %while3A, %while3A_181 : i32
        %while3A_183 = arith.constant 1 : i32
        %while3A_184:2 = scf.for %while3A_282 = %while3A to %while3A_182 step %while3A_183 iter_args(%while3A_283 = %broadcast_in_dim3A_39, %while3A_284 = %broadcast_in_dim3A_41) -> (vector<16xf32>, vector<16xi32>)  : i32 {
          %mul3A_285 = arith.constant 16 : i32
          %mul3A_286 = arith.muli %while3A_282, %mul3A_285 : i32
          %get3A = arith.index_cast %mul3A_286 : i32 to index
          %get3A_287 = tpu.vector_load %arg14[%get3A] {strides = array<i32>} : memref<8208xf32, #tpu.memory_space<vmem>>, vector<16xf32>,
          %mul3A_288 = arith.constant 16 : i32
          %mul3A_289 = arith.muli %while3A_282, %mul3A_288 : i32
          %get3A_290 = arith.index_cast %mul3A_289 : i32 to index
          %get3A_291 = tpu.vector_load %arg15[%get3A_290] {strides = array<i32>} : memref<8208xi32, #tpu.memory_space<vmem>>, vector<16xi32>,
          %masked_sort3A = arith.constant dense<true> : vector<16xi1>
          %masked_sort3A_292, %masked_sort3A_293, %masked_sort3A_294 = tpu.sort %get3A_287, %get3A_291 masked %masked_sort3A : (vector<16xf32>, vector<16xi32>, vector<16xi1>) -> (vector<16xi1>, vector<16xf32>, vector<16xi32>)
          %rev3A = arith.constant 15 : i32
          %rev3A_295 = vector.broadcast %rev3A : i32 to vector<16xi32>
          %rev3A_296 = tpu.iota {dimensions = array<i32: 0>} : vector<16xi32>
          %rev3A_297 = arith.subi %rev3A_295, %rev3A_296 : vector<16xi32>
          %rev3A_298 = tpu.dynamic_gather %masked_sort3A_293[%rev3A_297] in [0] : vector<16xf32>, vector<16xi32> -> vector<16xf32>
          %rev3A_299 = arith.constant 15 : i32
          %rev3A_300 = vector.broadcast %rev3A_299 : i32 to vector<16xi32>
          %rev3A_301 = tpu.iota {dimensions = array<i32: 0>} : vector<16xi32>
          %rev3A_302 = arith.subi %rev3A_300, %rev3A_301 : vector<16xi32>
          %rev3A_303 = tpu.dynamic_gather %masked_sort3A_294[%rev3A_302] in [0] : vector<16xi32>, vector<16xi32> -> vector<16xi32>
          %le3A = arith.cmpf ole, %while3A_283, %rev3A_298 : vector<16xf32>
          %min3A_304 = arith.minimumf %while3A_283, %rev3A_298 : vector<16xf32>
          %select_n3A_305 = arith.select %le3A, %while3A_284, %rev3A_303 : vector<16xi1>, vector<16xi32>
          %masked_sort3A_306 = arith.constant dense<true> : vector<16xi1>
          %masked_sort3A_307, %masked_sort3A_308, %masked_sort3A_309 = tpu.sort %min3A_304, %select_n3A_305 masked %masked_sort3A_306 : (vector<16xf32>, vector<16xi32>, vector<16xi1>) -> (vector<16xi1>, vector<16xf32>, vector<16xi32>)
          scf.yield %masked_sort3A_308, %masked_sort3A_309 : vector<16xf32>, vector<16xi32>
        }
        %while3A_185 = arith.constant 1 : i32
        %while3A_186:2 = scf.for %while3A_282 = %while3A_182 to %while3A_178 step %while3A_185 iter_args(%while3A_283 = %while3A_184#0, %while3A_284 = %while3A_184#1) -> (vector<16xf32>, vector<16xi32>)  : i32 {
          %mul3A_285 = arith.constant 16 : i32
          %mul3A_286 = arith.muli %while3A_282, %mul3A_285 : i32
          %get3A = arith.index_cast %mul3A_286 : i32 to index
          %get3A_287 = tpu.vector_load %arg14[%get3A] {strides = array<i32>} : memref<8208xf32, #tpu.memory_space<vmem>>, vector<16xf32>,
          %mul3A_288 = arith.constant 16 : i32
          %mul3A_289 = arith.muli %while3A_282, %mul3A_288 : i32
          %get3A_290 = arith.index_cast %mul3A_289 : i32 to index
          %get3A_291 = tpu.vector_load %arg15[%get3A_290] {strides = array<i32>} : memref<8208xi32, #tpu.memory_space<vmem>>, vector<16xi32>,
          %masked_sort3A = arith.constant dense<true> : vector<16xi1>
          %masked_sort3A_292, %masked_sort3A_293, %masked_sort3A_294 = tpu.sort %get3A_287, %get3A_291 masked %masked_sort3A : (vector<16xf32>, vector<16xi32>, vector<16xi1>) -> (vector<16xi1>, vector<16xf32>, vector<16xi32>)
          %rev3A = arith.constant 15 : i32
          %rev3A_295 = vector.broadcast %rev3A : i32 to vector<16xi32>
          %rev3A_296 = tpu.iota {dimensions = array<i32: 0>} : vector<16xi32>
          %rev3A_297 = arith.subi %rev3A_295, %rev3A_296 : vector<16xi32>
          %rev3A_298 = tpu.dynamic_gather %masked_sort3A_293[%rev3A_297] in [0] : vector<16xf32>, vector<16xi32> -> vector<16xf32>
          %rev3A_299 = arith.constant 15 : i32
          %rev3A_300 = vector.broadcast %rev3A_299 : i32 to vector<16xi32>
          %rev3A_301 = tpu.iota {dimensions = array<i32: 0>} : vector<16xi32>
          %rev3A_302 = arith.subi %rev3A_300, %rev3A_301 : vector<16xi32>
          %rev3A_303 = tpu.dynamic_gather %masked_sort3A_294[%rev3A_302] in [0] : vector<16xi32>, vector<16xi32> -> vector<16xi32>
          %le3A = arith.cmpf ole, %while3A_283, %rev3A_298 : vector<16xf32>
          %min3A_304 = arith.minimumf %while3A_283, %rev3A_298 : vector<16xf32>
          %select_n3A_305 = arith.select %le3A, %while3A_284, %rev3A_303 : vector<16xi1>, vector<16xi32>
          %masked_sort3A_306 = arith.constant dense<true> : vector<16xi1>
          %masked_sort3A_307, %masked_sort3A_308, %masked_sort3A_309 = tpu.sort %min3A_304, %select_n3A_305 masked %masked_sort3A_306 : (vector<16xf32>, vector<16xi32>, vector<16xi1>) -> (vector<16xi1>, vector<16xf32>, vector<16xi32>)
          scf.yield %masked_sort3A_308, %masked_sort3A_309 : vector<16xf32>, vector<16xi32>
        }
        %xor3A = arith.constant 1 : i32
        %xor3A_187 = vector.broadcast %xor3A : i32 to vector<16xi32>
        %xor3A_188 = arith.xori %iota3A, %xor3A_187 : vector<16xi32>
        %sub3A_189 = arith.constant 1 : i32
        %sub3A_190 = vector.broadcast %sub3A_189 : i32 to vector<16xi32>
        %sub3A_191 = arith.subi %iota3A, %sub3A_190 : vector<16xi32>
        %xor3A_192 = arith.constant 1 : i32
        %xor3A_193 = vector.broadcast %xor3A_192 : i32 to vector<16xi32>
        %xor3A_194 = arith.xori %sub3A_191, %xor3A_193 : vector<16xi32>
        %add3A_195 = arith.constant 1 : i32
        %add3A_196 = vector.broadcast %add3A_195 : i32 to vector<16xi32>
        %add3A_197 = arith.addi %xor3A_194, %add3A_196 : vector<16xi32>
        %jit3A_198 = arith.constant 0 : i32
        %jit3A_199 = arith.constant 15 : i32
        %max3A = vector.broadcast %jit3A_198 : i32 to vector<16xi32>
        %max3A_200 = arith.maxsi %max3A, %add3A_197 : vector<16xi32>
        %min3A = vector.broadcast %jit3A_199 : i32 to vector<16xi32>
        %min3A_201 = arith.minsi %min3A, %max3A_200 : vector<16xi32>
        %swap3A = arith.constant 0 : index
        %swap3A_202 = tpu.vector_load %arg14[%swap3A] {strides = array<i32>} : memref<8208xf32, #tpu.memory_space<vmem>>, vector<16xf32>,
        tpu.vector_store %arg14[%swap3A], %while3A_186#0 {strides = array<i32>} : memref<8208xf32, #tpu.memory_space<vmem>>, vector<16xf32>,
        %swap3A_203 = arith.constant 0 : index
        %swap3A_204 = tpu.vector_load %arg15[%swap3A_203] {strides = array<i32>} : memref<8208xi32, #tpu.memory_space<vmem>>, vector<16xi32>,
        tpu.vector_store %arg15[%swap3A_203], %while3A_186#1 {strides = array<i32>} : memref<8208xi32, #tpu.memory_space<vmem>>, vector<16xi32>,
        %gather3A_205 = tpu.vector_load_idx %arg14[%xor3A_188] : memref<8208xf32, #tpu.memory_space<vmem>>[vector<16xi32>], vector<16xf32>,
        %gather3A_206 = tpu.vector_load_idx %arg15[%xor3A_188] : memref<8208xi32, #tpu.memory_space<vmem>>[vector<16xi32>], vector<16xi32>,
        %eq3A_207 = arith.cmpf oeq, %while3A_186#0, %gather3A_205 : vector<16xf32>
        %lt3A_208 = arith.cmpi slt, %iota3A, %xor3A_188 : vector<16xi32>
        %min3A_209 = arith.minsi %while3A_186#1, %gather3A_206 : vector<16xi32>
        %max3A_210 = arith.maxsi %while3A_186#1, %gather3A_206 : vector<16xi32>
        %select_n3A_211 = arith.select %lt3A_208, %min3A_209, %max3A_210 : vector<16xi1>, vector<16xi32>
        %select_n3A_212 = arith.select %eq3A_207, %select_n3A_211, %while3A_186#1 : vector<16xi1>, vector<16xi32>
        %swap3A_213 = arith.constant 0 : index
        %swap3A_214 = tpu.vector_load %arg14[%swap3A_213] {strides = array<i32>} : memref<8208xf32, #tpu.memory_space<vmem>>, vector<16xf32>,
        tpu.vector_store %arg14[%swap3A_213], %while3A_186#0 {strides = array<i32>} : memref<8208xf32, #tpu.memory_space<vmem>>, vector<16xf32>,
        %swap3A_215 = arith.constant 0 : index
        %swap3A_216 = tpu.vector_load %arg15[%swap3A_215] {strides = array<i32>} : memref<8208xi32, #tpu.memory_space<vmem>>, vector<16xi32>,
        tpu.vector_store %arg15[%swap3A_215], %select_n3A_212 {strides = array<i32>} : memref<8208xi32, #tpu.memory_space<vmem>>, vector<16xi32>,
        %gather3A_217 = tpu.vector_load_idx %arg14[%min3A_201] : memref<8208xf32, #tpu.memory_space<vmem>>[vector<16xi32>], vector<16xf32>,
        %gather3A_218 = tpu.vector_load_idx %arg15[%min3A_201] : memref<8208xi32, #tpu.memory_space<vmem>>[vector<16xi32>], vector<16xi32>,
        %eq3A_219 = arith.cmpf oeq, %while3A_186#0, %gather3A_217 : vector<16xf32>
        %lt3A_220 = arith.cmpi slt, %iota3A, %min3A_201 : vector<16xi32>
        %min3A_221 = arith.minsi %select_n3A_212, %gather3A_218 : vector<16xi32>
        %max3A_222 = arith.maxsi %select_n3A_212, %gather3A_218 : vector<16xi32>
        %select_n3A_223 = arith.select %lt3A_220, %min3A_221, %max3A_222 : vector<16xi1>, vector<16xi32>
        %select_n3A_224 = arith.select %eq3A_219, %select_n3A_223, %select_n3A_212 : vector<16xi1>, vector<16xi32>
        %swap3A_225 = arith.constant 0 : index
        %swap3A_226 = tpu.vector_load %arg14[%swap3A_225] {strides = array<i32>} : memref<8208xf32, #tpu.memory_space<vmem>>, vector<16xf32>,
        tpu.vector_store %arg14[%swap3A_225], %while3A_186#0 {strides = array<i32>} : memref<8208xf32, #tpu.memory_space<vmem>>, vector<16xf32>,
        %swap3A_227 = arith.constant 0 : index
        %swap3A_228 = tpu.vector_load %arg15[%swap3A_227] {strides = array<i32>} : memref<8208xi32, #tpu.memory_space<vmem>>, vector<16xi32>,
        tpu.vector_store %arg15[%swap3A_227], %select_n3A_224 {strides = array<i32>} : memref<8208xi32, #tpu.memory_space<vmem>>, vector<16xi32>,
        %gather3A_229 = tpu.vector_load_idx %arg14[%xor3A_188] : memref<8208xf32, #tpu.memory_space<vmem>>[vector<16xi32>], vector<16xf32>,
        %gather3A_230 = tpu.vector_load_idx %arg15[%xor3A_188] : memref<8208xi32, #tpu.memory_space<vmem>>[vector<16xi32>], vector<16xi32>,
        %eq3A_231 = arith.cmpf oeq, %while3A_186#0, %gather3A_229 : vector<16xf32>
        %lt3A_232 = arith.cmpi slt, %iota3A, %xor3A_188 : vector<16xi32>
        %min3A_233 = arith.minsi %select_n3A_224, %gather3A_230 : vector<16xi32>
        %max3A_234 = arith.maxsi %select_n3A_224, %gather3A_230 : vector<16xi32>
        %select_n3A_235 = arith.select %lt3A_232, %min3A_233, %max3A_234 : vector<16xi1>, vector<16xi32>
        %select_n3A_236 = arith.select %eq3A_231, %select_n3A_235, %select_n3A_224 : vector<16xi1>, vector<16xi32>
        %gather3A_237 = tpu.vector_load_idx %arg6[%select_n3A_236] : memref<8192xf32, #tpu.memory_space<vmem>>[vector<16xi32>], vector<16xf32>,
        %sub3A_238 = arith.subf %gather3A_237, %gather3A : vector<16xf32>
        %swap3A_239 = arith.constant 0 : i32
        %swap3A_240 = arith.index_cast %swap3A_239 : i32 to index
        %swap3A_241 = arith.index_cast %add3A_89 : i32 to index
        %swap3A_242 = arith.constant 0 : index
        %swap3A_243 = tpu.vector_load %arg17[%swap3A_240, %swap3A_241, %swap3A_242] {strides = array<i32>} : memref<67x16x16xf32, #tpu.memory_space<vmem>>, vector<16xf32>,
        tpu.vector_store %arg17[%swap3A_240, %swap3A_241, %swap3A_242], %sub3A_238 {strides = array<i32>} : memref<67x16x16xf32, #tpu.memory_space<vmem>>, vector<16xf32>,
        %gather3A_244 = tpu.vector_load_idx %arg7[%select_n3A_236] : memref<8192xf32, #tpu.memory_space<vmem>>[vector<16xi32>], vector<16xf32>,
        %sub3A_245 = arith.subf %gather3A_244, %gather3A_96 : vector<16xf32>
        %swap3A_246 = arith.constant 1 : i32
        %swap3A_247 = arith.index_cast %swap3A_246 : i32 to index
        %swap3A_248 = arith.index_cast %add3A_89 : i32 to index
        %swap3A_249 = arith.constant 0 : index
        %swap3A_250 = tpu.vector_load %arg17[%swap3A_247, %swap3A_248, %swap3A_249] {strides = array<i32>} : memref<67x16x16xf32, #tpu.memory_space<vmem>>, vector<16xf32>,
        tpu.vector_store %arg17[%swap3A_247, %swap3A_248, %swap3A_249], %sub3A_245 {strides = array<i32>} : memref<67x16x16xf32, #tpu.memory_space<vmem>>, vector<16xf32>,
        %gather3A_251 = tpu.vector_load_idx %arg8[%select_n3A_236] : memref<8192xf32, #tpu.memory_space<vmem>>[vector<16xi32>], vector<16xf32>,
        %sub3A_252 = arith.subf %gather3A_251, %gather3A_99 : vector<16xf32>
        %swap3A_253 = arith.constant 2 : i32
        %swap3A_254 = arith.index_cast %swap3A_253 : i32 to index
        %swap3A_255 = arith.index_cast %add3A_89 : i32 to index
        %swap3A_256 = arith.constant 0 : index
        %swap3A_257 = tpu.vector_load %arg17[%swap3A_254, %swap3A_255, %swap3A_256] {strides = array<i32>} : memref<67x16x16xf32, #tpu.memory_space<vmem>>, vector<16xf32>,
        tpu.vector_store %arg17[%swap3A_254, %swap3A_255, %swap3A_256], %sub3A_252 {strides = array<i32>} : memref<67x16x16xf32, #tpu.memory_space<vmem>>, vector<16xf32>,
        %gt3A = arith.constant 0 : i32
        %gt3A_258 = arith.cmpi sgt, %add3A_89, %gt3A : i32
        %convert_element_type3A = arith.extui %gt3A_258 : i1 to i32
        %cond3A = arith.constant 0 : i32
        %cond3A_259 = arith.cmpi ne, %convert_element_type3A, %cond3A : i32
        scf.if %cond3A_259 {
          %dma_wait3A_282 = arith.constant 0 : i32
          %dma_wait3A_283 = arith.constant 0 : i32
          %dma_wait3A_284 = arith.constant 0 : i32
          %dma_wait3A_285 = arith.constant 0 : i32
          %dma_wait3A_286 = tpu.memref_slice %arg16[%dma_wait3A_283, %dma_wait3A_284, %dma_wait3A_285] : memref<2x16x64xf32, #tpu.memory_space<vmem>> -> memref<1x16x64xf32, #tpu.memory_space<vmem>>
          %dma_wait3A_287 = tpu.memref_squeeze %dma_wait3A_286 : memref<1x16x64xf32, #tpu.memory_space<vmem>> -> memref<16x64xf32, #tpu.memory_space<vmem>>
          %dma_wait3A_288 = arith.constant 0 : i32
          %dma_wait3A_289 = tpu.memref_slice %arg18[%dma_wait3A_282, %dma_wait3A_288] : memref<2x16xi32, #tpu.memory_space<vmem>> -> memref<1x16xi32, #tpu.memory_space<vmem>>
          %dma_wait3A_290 = tpu.memref_squeeze %dma_wait3A_289 : memref<1x16xi32, #tpu.memory_space<vmem>> -> memref<16xi32, #tpu.memory_space<vmem>>
          %dma_wait3A_291 = arith.constant 0 : i32
          %dma_wait3A_292 = arith.constant 0 : i32
          %dma_wait3A_293 = tpu.memref_slice %arg4[%select_n3A, %dma_wait3A_291, %dma_wait3A_292] : memref<4x8192x64xf32, #tpu.memory_space<hbm>> -> memref<1x8192x64xf32, #tpu.memory_space<hbm>>
          %dma_wait3A_294 = tpu.memref_squeeze %dma_wait3A_293 : memref<1x8192x64xf32, #tpu.memory_space<hbm>> -> memref<8192x64xf32, #tpu.memory_space<hbm>>
          %dma_wait3A_295 = arith.constant 0 : i32
          %dma_wait3A_296 = arith.constant 0 : i32
          %dma_wait3A_297 = tpu.memref_slice %dma_wait3A_294[%dma_wait3A_295, %dma_wait3A_296] : memref<8192x64xf32, #tpu.memory_space<hbm>> -> memref<8192x64xf32, #tpu.memory_space<hbm>>
          tpu.wait_indirect_dma semaphore(%arg21 : memref<!tpu.dma_semaphore, #tpu.memory_space<semaphore_mem>>) src(%dma_wait3A_297 : memref<8192x64xf32, #tpu.memory_space<hbm>>) dst(%dma_wait3A_287 : memref<16x64xf32, #tpu.memory_space<vmem>>)
          %sub3A_298 = arith.constant 1 : i32
          %sub3A_299 = arith.subi %add3A_89, %sub3A_298 : i32
          %and3A_300 = arith.constant 1 : i32
          %and3A_301 = arith.andi %sub3A_299, %and3A_300 : i32
          %broadcast_in_dim3A_302 = vector.broadcast %and3A_301 : i32 to vector<16xi32>
          %scan3A_303 = arith.constant 0 : i32
          %scan3A_304 = arith.constant 64 : i32
          %scan3A_305 = arith.addi %scan3A_303, %scan3A_304 : i32
          %scan3A_306 = arith.constant 1 : i32
          scf.for %scan3A_308 = %scan3A_303 to %scan3A_305 step %scan3A_306  : i32 {
            %mul3A_309 = arith.constant 1 : i32
            %mul3A_310 = arith.muli %scan3A_308, %mul3A_309 : i32
            %add3A_311 = arith.constant 0 : i32
            %add3A_312 = arith.addi %add3A_311, %mul3A_310 : i32
            %broadcast_in_dim3A_313 = vector.broadcast %add3A_312 : i32 to vector<16xi32>
            %gather3A_314 = tpu.vector_load_idx %arg16[%broadcast_in_dim3A_302, %iota3A, %broadcast_in_dim3A_313] : memref<2x16x64xf32, #tpu.memory_space<vmem>>[vector<16xi32>, vector<16xi32>, vector<16xi32>], vector<16xf32>,
            %add3A_315 = arith.constant 3 : i32
            %add3A_316 = arith.addi %add3A_315, %add3A_312 : i32
            %sub3A_317 = arith.constant 1 : i32
            %sub3A_318 = arith.subi %add3A_89, %sub3A_317 : i32
            %swap3A_319 = arith.index_cast %add3A_316 : i32 to index
            %swap3A_320 = arith.index_cast %sub3A_318 : i32 to index
            %swap3A_321 = arith.constant 0 : index
            %swap3A_322 = tpu.vector_load %arg17[%swap3A_319, %swap3A_320, %swap3A_321] {strides = array<i32>} : memref<67x16x16xf32, #tpu.memory_space<vmem>>, vector<16xf32>,
            tpu.vector_store %arg17[%swap3A_319, %swap3A_320, %swap3A_321], %gather3A_314 {strides = array<i32>} : memref<67x16x16xf32, #tpu.memory_space<vmem>>, vector<16xf32>,
          }
          %scan3A_307 = arith.constant 64 : i32
        } else {
        }
        %and3A_260 = arith.constant 1 : i32
        %and3A_261 = arith.andi %add3A_89, %and3A_260 : i32
        %swap3A_262 = arith.index_cast %and3A_261 : i32 to index
        %swap3A_263 = arith.constant 0 : index
        %swap3A_264 = tpu.vector_load %arg18[%swap3A_262, %swap3A_263] {strides = array<i32>} : memref<2x16xi32, #tpu.memory_space<vmem>>, vector<16xi32>,
        tpu.vector_store %arg18[%swap3A_262, %swap3A_263], %select_n3A_236 {strides = array<i32>} : memref<2x16xi32, #tpu.memory_space<vmem>>, vector<16xi32>,
        %and3A_265 = arith.constant 1 : i32
        %and3A_266 = arith.andi %add3A_89, %and3A_265 : i32
        %and3A_267 = arith.constant 1 : i32
        %and3A_268 = arith.andi %add3A_89, %and3A_267 : i32
        %dma_start3A = arith.constant 0 : i32
        %dma_start3A_269 = arith.constant 0 : i32
        %dma_start3A_270 = tpu.memref_slice %arg16[%and3A_268, %dma_start3A, %dma_start3A_269] : memref<2x16x64xf32, #tpu.memory_space<vmem>> -> memref<1x16x64xf32, #tpu.memory_space<vmem>>
        %dma_start3A_271 = tpu.memref_squeeze %dma_start3A_270 : memref<1x16x64xf32, #tpu.memory_space<vmem>> -> memref<16x64xf32, #tpu.memory_space<vmem>>
        %dma_start3A_272 = arith.constant 0 : i32
        %dma_start3A_273 = tpu.memref_slice %arg18[%and3A_266, %dma_start3A_272] : memref<2x16xi32, #tpu.memory_space<vmem>> -> memref<1x16xi32, #tpu.memory_space<vmem>>
        %dma_start3A_274 = tpu.memref_squeeze %dma_start3A_273 : memref<1x16xi32, #tpu.memory_space<vmem>> -> memref<16xi32, #tpu.memory_space<vmem>>
        %dma_start3A_275 = arith.constant 0 : i32
        %dma_start3A_276 = arith.constant 0 : i32
        %dma_start3A_277 = tpu.memref_slice %arg4[%select_n3A, %dma_start3A_275, %dma_start3A_276] : memref<4x8192x64xf32, #tpu.memory_space<hbm>> -> memref<1x8192x64xf32, #tpu.memory_space<hbm>>
        %dma_start3A_278 = tpu.memref_squeeze %dma_start3A_277 : memref<1x8192x64xf32, #tpu.memory_space<hbm>> -> memref<8192x64xf32, #tpu.memory_space<hbm>>
        %dma_start3A_279 = arith.constant 0 : i32
        %dma_start3A_280 = arith.constant 0 : i32
        %dma_start3A_281 = tpu.memref_slice %dma_start3A_278[%dma_start3A_279, %dma_start3A_280] : memref<8192x64xf32, #tpu.memory_space<hbm>> -> memref<8192x64xf32, #tpu.memory_space<hbm>>
        tpu.enqueue_indirect_dma source(%dma_start3A_281 : memref<8192x64xf32, #tpu.memory_space<hbm>>) target(%dma_start3A_271 : memref<16x64xf32, #tpu.memory_space<vmem>>) offsets(%dma_start3A_274 : memref<16xi32, #tpu.memory_space<vmem>>) semaphore(%arg21 : memref<!tpu.dma_semaphore, #tpu.memory_space<semaphore_mem>>)
      }
      %scan3A_59 = arith.constant 16 : i32
      %dma_wait3A = arith.constant 0 : i32
      %dma_wait3A_60 = arith.constant 0 : i32
      %dma_wait3A_61 = arith.constant 0 : i32
      %dma_wait3A_62 = arith.constant 0 : i32
      %dma_wait3A_63 = tpu.memref_slice %arg16[%dma_wait3A_60, %dma_wait3A_61, %dma_wait3A_62] : memref<2x16x64xf32, #tpu.memory_space<vmem>> -> memref<1x16x64xf32, #tpu.memory_space<vmem>>
      %dma_wait3A_64 = tpu.memref_squeeze %dma_wait3A_63 : memref<1x16x64xf32, #tpu.memory_space<vmem>> -> memref<16x64xf32, #tpu.memory_space<vmem>>
      %dma_wait3A_65 = arith.constant 0 : i32
      %dma_wait3A_66 = tpu.memref_slice %arg18[%dma_wait3A, %dma_wait3A_65] : memref<2x16xi32, #tpu.memory_space<vmem>> -> memref<1x16xi32, #tpu.memory_space<vmem>>
      %dma_wait3A_67 = tpu.memref_squeeze %dma_wait3A_66 : memref<1x16xi32, #tpu.memory_space<vmem>> -> memref<16xi32, #tpu.memory_space<vmem>>
      %dma_wait3A_68 = arith.constant 0 : i32
      %dma_wait3A_69 = arith.constant 0 : i32
      %dma_wait3A_70 = tpu.memref_slice %arg4[%select_n3A, %dma_wait3A_68, %dma_wait3A_69] : memref<4x8192x64xf32, #tpu.memory_space<hbm>> -> memref<1x8192x64xf32, #tpu.memory_space<hbm>>
      %dma_wait3A_71 = tpu.memref_squeeze %dma_wait3A_70 : memref<1x8192x64xf32, #tpu.memory_space<hbm>> -> memref<8192x64xf32, #tpu.memory_space<hbm>>
      %dma_wait3A_72 = arith.constant 0 : i32
      %dma_wait3A_73 = arith.constant 0 : i32
      %dma_wait3A_74 = tpu.memref_slice %dma_wait3A_71[%dma_wait3A_72, %dma_wait3A_73] : memref<8192x64xf32, #tpu.memory_space<hbm>> -> memref<8192x64xf32, #tpu.memory_space<hbm>>
      tpu.wait_indirect_dma semaphore(%arg21 : memref<!tpu.dma_semaphore, #tpu.memory_space<semaphore_mem>>) src(%dma_wait3A_74 : memref<8192x64xf32, #tpu.memory_space<hbm>>) dst(%dma_wait3A_64 : memref<16x64xf32, #tpu.memory_space<vmem>>)
      %broadcast_in_dim3A_75 = arith.constant 1 : i32
      %broadcast_in_dim3A_76 = vector.broadcast %broadcast_in_dim3A_75 : i32 to vector<16xi32>
      %scan3A_77 = arith.constant 0 : i32
      %scan3A_78 = arith.constant 64 : i32
      %scan3A_79 = arith.addi %scan3A_77, %scan3A_78 : i32
      %scan3A_80 = arith.constant 1 : i32
      scf.for %scan3A_85 = %scan3A_77 to %scan3A_79 step %scan3A_80  : i32 {
        %mul3A_86 = arith.constant 1 : i32
        %mul3A_87 = arith.muli %scan3A_85, %mul3A_86 : i32
        %add3A_88 = arith.constant 0 : i32
        %add3A_89 = arith.addi %add3A_88, %mul3A_87 : i32
        %broadcast_in_dim3A_90 = vector.broadcast %add3A_89 : i32 to vector<16xi32>
        %gather3A = tpu.vector_load_idx %arg16[%broadcast_in_dim3A_76, %iota3A, %broadcast_in_dim3A_90] : memref<2x16x64xf32, #tpu.memory_space<vmem>>[vector<16xi32>, vector<16xi32>, vector<16xi32>], vector<16xf32>,
        %add3A_91 = arith.constant 3 : i32
        %add3A_92 = arith.addi %add3A_91, %add3A_89 : i32
        %swap3A = arith.constant 15 : i32
        %swap3A_93 = arith.index_cast %add3A_92 : i32 to index
        %swap3A_94 = arith.index_cast %swap3A : i32 to index
        %swap3A_95 = arith.constant 0 : index
        %swap3A_96 = tpu.vector_load %arg17[%swap3A_93, %swap3A_94, %swap3A_95] {strides = array<i32>} : memref<67x16x16xf32, #tpu.memory_space<vmem>>, vector<16xf32>,
        tpu.vector_store %arg17[%swap3A_93, %swap3A_94, %swap3A_95], %gather3A {strides = array<i32>} : memref<67x16x16xf32, #tpu.memory_space<vmem>>, vector<16xf32>,
      }
      %scan3A_81 = arith.constant 64 : i32
      %mul3A_82 = arith.constant 67 : i32
      %mul3A_83 = arith.muli %select_n3A, %mul3A_82 : i32
      %add3A_84 = arith.addi %mul3A_32, %add3A_54 : i32
      "tpu.region"() ({
        %run_scoped3A_85 = tpu.sem_alloc : memref<!tpu.dma_semaphore, #tpu.memory_space<semaphore_mem>>
        %dma_start3A = arith.constant 0 : i32
        %dma_start3A_86 = tpu.memref_slice %arg5[%mul3A_83, %add3A_84, %dma_start3A] : memref<268x2048x16xf32, #tpu.memory_space<hbm>> -> memref<67x16x16xf32, #tpu.memory_space<hbm>>
        %dma_start3A_87 = arith.constant 0 : i32
        %dma_start3A_88 = tpu.memref_slice %arg5[%mul3A_83, %add3A_84, %dma_start3A_87] : memref<268x2048x16xf32, #tpu.memory_space<hbm>> -> memref<67x16x16xf32, #tpu.memory_space<hbm>>
        tpu.enqueue_dma source(%arg17 : memref<67x16x16xf32, #tpu.memory_space<vmem>>) target(%dma_start3A_88 : memref<67x16x16xf32, #tpu.memory_space<hbm>>) target_semaphore(%run_scoped3A_85 : memref<!tpu.dma_semaphore, #tpu.memory_space<semaphore_mem>>)
        %dma_wait3A_89 = arith.constant 0 : i32
        %dma_wait3A_90 = tpu.memref_slice %arg5[%mul3A_83, %add3A_84, %dma_wait3A_89] : memref<268x2048x16xf32, #tpu.memory_space<hbm>> -> memref<67x16x16xf32, #tpu.memory_space<hbm>>
        %dma_wait3A_91 = arith.constant 0 : i32
        %dma_wait3A_92 = tpu.memref_slice %arg5[%mul3A_83, %add3A_84, %dma_wait3A_91] : memref<268x2048x16xf32, #tpu.memory_space<hbm>> -> memref<67x16x16xf32, #tpu.memory_space<hbm>>
        tpu.wait_dma2 semaphore(%run_scoped3A_85 : memref<!tpu.dma_semaphore, #tpu.memory_space<semaphore_mem>>) src(%arg17 : memref<67x16x16xf32, #tpu.memory_space<vmem>>) dst(%dma_wait3A_92 : memref<67x16x16xf32, #tpu.memory_space<hbm>>)
        tpu.yield
      }) : () -> ()
    }
    %scan3A_49 = arith.constant 16 : i32
    return
  }
}

</mosaic_0001>

<sc_bundles>
// kernel: kernel.3.cloned.1.call-start
scs
__scs_entry_jumppad:
0x0: {  	(pc) =	sbr.rel $0x88, $3  }
0x1: {  	(tag) =	ssettag $0x0;
	lr =	simm.s32 $0x1  }
0x2: {  	[smem:$0x3F9E] =	sst lr;
	_ =	strace $0xD0000000  }
0x3: {  	_ = 	snop  }
0x4: {  	_ = 	snop  }
0x5: {  	_ = 	snop  }
0x6: {  	_ = 	snop  }
0x7: {  	_ = 	snop  }
__scs_overlays_trampoline_lowered:
0x8: {  	[smem:$0x3FAD] =	sst s0  }
0x9: {  	[smem:$0x3FAE] =	sst s1  }
0xa: {  	[smem:$0x3FAF] =	sst s2  }
0xb: {  	[smem:$0x3FB0] =	sst s3  }
0xc: {  	[smem:$0x3FB1] =	sst s4  }
0xd: {  	[smem:$0x3FB2] =	sst s5  }
0xe: {  	[smem:$0x3FB3] =	sst s6  }
0xf: {  	[smem:$0x3FB4] =	sst s7  }
0x10: {  	[smem:$0x3FB5] =	sst s8  }
0x11: {  	[smem:$0x3FB6] =	sst s9;
	s0 =	simm.s32 @!p0 $0x0  }
0x12: {  	s1 =	sld [smem:$0x3F9C];
	s0 =	simm.s32 @p0 $0x1  }
0x13: {  	[smem:$0x3FB7] =	sst s0;
	s0 =	simm.s32 @!p1 $0x0  }
0x14: {  	s2 =	sld [smem:$0x3F9B];
	s0 =	simm.s32 @p1 $0x1  }
0x15: {  	[smem:$0x3FB8] =	sst s0;
	s0 =	simm.s32 @!p2 $0x0  }
0x16: {  	s3 =	sld [smem:$0x3FDB];
	s0 =	simm.s32 @p2 $0x1  }
0x17: {  	s4 =	simm.s32 $0x1BF5;
	[smem:$0x3FBA] =	sst s0  }
0x18: {  	s0 =	sld [smem:$0x3F9D];
	_ =	swait.ge [sflag:s4], $0x0  }
0x19: {  	s7 =	sld [smem:$0x3F9E]  }
0x1a: {  	s8 =	sadd.s32 $0xFFFFE003, lr  }
0x1b: {  	s9 =	sadd.s32 $0xFFFFFEF7, lr;
	s5 =	simm.s32 $0xFFFFFFFF;
	p2 =	slt.u32 s8, $0xFFFFF086  }
0x1c: {  	p1 =	slt.u32 s9, $0xF7A;
	s5 =	simm.s32 @!p2 $0x0  }
0x1d: {  	s5 =	simm.s32 @p1 $0x1;
	p0 =	seq.s32 s7, s2  }
0x1e: {  	s7 =	smul.u32 @!p0 $0xF7A, s2;
	p2 =	seq.s32 @!p0 s5, $0x0  }
0x1f: {  	s9 =	smul.u32 $0xF7A, s1;
	s8 =	simm.s32 @!p0 $0x1BF5;
	p2 =	por !p2, p0  }
0x20: {  	[sflag:s8] =	ssyncset.s32 @!p0 $0xFFFFF086;
	s6 =	sadd.s32 @!p0 s3, s7;
	s7 =	simm.s32 @!p0 $0x108  }
0x21: {  	s3 =	sadd.s32 s3, s9;
	s6 =	sadd.s32 @!p0 $0x88, s6;
	s7 =	simm.s32 @p2 $0x1082  }
0x22: {  	[simem:s7], [sflag:s8] =	dma.local @!p0 [hbm:s6], $0xF7A  }
0x23: {  	s9 =	sor.u32 $0xD0000000, s2;
	s6 =	simm.s32 $0x108;
	_ =	swait.ge @!p0 [sflag:s8], $0x0  }
0x24: {  	s3 =	sadd.s32 $0x88, s3;
	s6 =	simm.s32 @!p1 $0x1082;
	[sflag:s4] =	ssyncset.s32 $0xFFFFF086  }
0x25: {  	[simem:s6], [sflag:s4] =	dma.local [hbm:s3], $0xF7A  }
0x26: {  	[smem:$0x3F9E] =	sst s1;
	(tag) =	ssettag s2;
	_ =	strace s9  }
0x27: {  	s1 =	sld [smem:$0x3FAE]  }
0x28: {  	s2 =	sld [smem:$0x3FAF]  }
0x29: {  	s4 =	sld [smem:$0x3FB1]  }
0x2a: {  	p0 =	seq.s32 s5, $0x0;
	s5 =	sld [smem:$0x3FB2]  }
0x2b: {  	s6 =	sld [smem:$0x3FB3]  }
0x2c: {  	s7 =	sld [smem:$0x3FB4]  }
0x2d: {  	s3 =	simm.s32 $0x108;
	s8 =	sld [smem:$0x3FB5]  }
0x2e: {  	s3 =	simm.s32 @!p0 $0x1082;
	s9 =	sld [smem:$0x3FB6]  }
0x2f: {  	lr =	sadd.s32 s0, s3;
	s0 =	sld [smem:$0x3FAD]  }
0x30: {  	s3 =	sld [smem:$0x3FB0]  }
0x31: {  	[smem:$0x3FB9] =	sst s10  }
0x32: {  	s10 =	sld [smem:$0x3FB7];
	_ =	sdelay $0x3  }
0x33: {  	p0 =	seq.s32 s10, $0x1;
	s10 =	sld [smem:$0x3FB9];
	_ =	sdelay $0x3  }
0x34: {  	[smem:$0x3FB9] =	sst s10  }
0x35: {  	s10 =	sld [smem:$0x3FB8];
	_ =	sdelay $0x3  }
0x36: {  	p1 =	seq.s32 s10, $0x1;
	s10 =	sld [smem:$0x3FB9];
	_ =	sdelay $0x3  }
0x37: {  	[smem:$0x3FB9] =	sst s10  }
0x38: {  	s10 =	sld [smem:$0x3FBA]  }
0x39: {  	_ = 	snop;
	(pc) =	sbr.ind lr, $3  }
0x3a: {  	_ = 	snop  }
0x3b: {  	_ = 	snop  }
0x3c: {  	p2 =	seq.s32 s10, $0x1;
	s10 =	sld [smem:$0x3FB9]  }
0x3d: {  	_ =	shalt  }
0x3e: {  	_ =	shalt  }
0x3f: {  	_ =	shalt  }
0x40: {  	_ =	shalt  }
0x41: {  	_ =	shalt  }
0x42: {  	_ =	shalt  }
0x43: {  	_ =	shalt  }
0x44: {  	_ =	shalt  }
0x45: {  	_ =	shalt  }
0x46: {  	_ =	shalt  }
0x47: {  	_ =	shalt  }
0x48: {  	_ =	shalt  }
0x49: {  	_ =	shalt  }
0x4a: {  	_ =	shalt  }
0x4b: {  	_ =	shalt  }
0x4c: {  	_ =	shalt  }
0x4d: {  	_ =	shalt  }
0x4e: {  	_ =	shalt  }
0x4f: {  	_ =	shalt  }
0x50: {  	_ =	shalt  }
0x51: {  	_ =	shalt  }
0x52: {  	_ =	shalt  }
0x53: {  	_ =	shalt  }
0x54: {  	_ =	shalt  }
0x55: {  	_ =	shalt  }
0x56: {  	_ =	shalt  }
0x57: {  	_ =	shalt  }
0x58: {  	_ =	shalt  }
0x59: {  	_ =	shalt  }
0x5a: {  	_ =	shalt  }
0x5b: {  	_ =	shalt  }
0x5c: {  	_ =	shalt  }
0x5d: {  	_ =	shalt  }
0x5e: {  	_ =	shalt  }
0x5f: {  	_ =	shalt  }
0x60: {  	_ =	shalt  }
0x61: {  	_ =	shalt  }
0x62: {  	_ =	shalt  }
0x63: {  	_ =	shalt  }
0x64: {  	_ =	shalt  }
0x65: {  	_ =	shalt  }
0x66: {  	_ =	shalt  }
0x67: {  	_ =	shalt  }
0x68: {  	_ =	shalt  }
0x69: {  	_ =	shalt  }
0x6a: {  	_ =	shalt  }
0x6b: {  	_ =	shalt  }
0x6c: {  	_ =	shalt  }
0x6d: {  	_ =	shalt  }
0x6e: {  	_ =	shalt  }
0x6f: {  	_ =	shalt  }
0x70: {  	_ =	shalt  }
0x71: {  	_ =	shalt  }
0x72: {  	_ =	shalt  }
0x73: {  	_ =	shalt  }
0x74: {  	_ =	shalt  }
0x75: {  	_ =	shalt  }
0x76: {  	_ =	shalt  }
0x77: {  	_ =	shalt  }
0x78: {  	_ =	shalt  }
0x79: {  	_ =	shalt  }
0x7a: {  	_ =	shalt  }
0x7b: {  	_ =	shalt  }
0x7c: {  	_ =	shalt  }
0x7d: {  	_ =	shalt  }
0x7e: {  	_ =	shalt  }
0x7f: {  	_ =	shalt  }
0x80: {  	_ =	shalt  }
0x81: {  	_ =	shalt  }
0x82: {  	_ =	shalt  }
0x83: {  	_ =	shalt  }
0x84: {  	_ =	shalt  }
0x85: {  	_ =	shalt  }
0x86: {  	_ =	shalt  }
0x87: {  	_ =	shalt  }
.Lfunc_end0:
.L_simem_size_0:
called_computation.1_lowered:
.L_overlay_start_0:
0x88: {  	s2 =	sld [smem:$0x3FD9]  }
0x89: {  	s3 =	sld [smem:$0x3FFE];
	_ =	sdelay $0x1  }
0x8a: {  	s1 =	srdreg.scid  }
0x8b: {  	s0 =	sand.u32 $0x1, s1  }
0x8c: {  	s17 =	sshll.u32 s0, $0xA;
	s2 =	sadd.s32 s3, s2  }
0x8d: {  	s2 =	sadd.s32 s2, s17  }
0x8e: {  	[smem:$0x3FC5] =	sst s2  }
0x8f: {  	_ = 	snop  }
0x90: {  	s2 =	sld [smem:$0x3FD0];
	(tm) =	ssettm $0x1  }
0x91: {  	s18 =	sld [smem:$0x3FFB];
	_ =	sdelay $0x3  }
0x92: {  	_ =	strace s18  }
0x93: {  	s3 =	sld [smem:$0x3FFC];
	_ =	sdelay $0x3  }
0x94: {  	_ =	strace s3  }
0x95: {  	s3 =	sld [smem:$0x3FFD];
	_ =	sdelay $0x3  }
0x96: {  	_ =	strace s3  }
0x97: {  	_ =	strace $0x8FFFFFFF  }
0x98: {  	s19 =	sld [smem:$0x3FDB];
	_ =	sdelay $0x1  }
0x99: {  	s4 =	simm.s32 $_scs_section_size  }
0x9a: {  	s5 =	simm.s32 $_size__tile_overlayer_lowered;
	s6 =	simm.s32 $_tile_overlayer_lowered  }
0x9b: {  	s22 =	simm.s32 $0x1BFF;
	s21 =	sshll.u32 s6, $0x1;
	s3 =	sadd.s32 s4, s19  }
0x9c: {  	s7 =	simm.s32 $0x0;
	s20 =	sshll.u32 s5, $0x1;
	s5 =	sadd.s32 s21, s3  }
0x9d: {  	[timem:s7], [sflag:s22] =	dma.local [hbm:s5], s20  }
0x9e: {  	_ =	swait.ge [sflag:s22], s20  }
0x9f: {  	s4 =	ssub.s32 $0x0, s20;
	[sflag:s22] =	ssyncset.done $0x0  }
0xa0: {  	[sflag:s22] =	ssyncadd.s32 s4;
	_ =	sdelay $0x1  }
0xa1: {  	s23 =	simm.s32 $0x1B8B  }
0xa2: {  	_ =	swait.ge [sflag:s23], $0x1  }
0xa3: {  	[sflag:s23] =	ssyncset.done $0x0  }
0xa4: {  	s25 =	simm.s32 $0x1B8E;
	s24 =	sld [smem:$0x3FFE];
	[sflag:s23] =	ssyncadd.s32 $0xFFFFFFFF  }
0xa5: {  	s26 =	simm.s32 $execute0_lowered;
	[smem:$0x3FD2] =	sst s25  }
0xa6: {  	s5 =	sshll.u32 s26, $0x1;
	_ =	strace $0x80000046;
	[dreg:$0x1] =	wrdreg $0xFFFFFFFF  }
0xa7: {  	s28 =	simm.s32 $_size_execute0_lowered;
	s3 =	sadd.s32 s3, s5;
	[dreg:$0x0] =	wrdreg $0x0  }
0xa8: {  	s5 =	sshll.u32 s28, $0x1;
	[dreg:$0x2] =	wrdreg s3  }
0xa9: {  	[dreg:$0x3] =	wrdreg s5  }
0xaa: {  	[dreg:$0x4] =	wrdreg $0xC0  }
0xab: {  	_ =	task [dreg:s7], $0x5FFFF  }
0xac: {  	[dreg:$0x1] =	wrdreg $0xFFFFFFFF  }
0xad: {  	[dreg:$0x0] =	wrdreg $0x60  }
0xae: {  	[dreg:$0x2] =	wrdreg s24  }
0xaf: {  	[dreg:$0x3] =	wrdreg s2  }
0xb0: {  	[dreg:$0x4] =	wrdreg $0x9  }
0xb1: {  	_ =	task.clear_ibuf [dreg:s7], $0x5FFFF;
	_ =	strace $0x90000046  }
0xb2: {  	s29 =	simm.s32 $0x9;
	_ =	strace $0x80000048  }
0xb3: {  	_ =	swait.ge [sflag:s29], $0x1  }
0xb4: {  	[sflag:s29] =	ssyncadd.s32 $0xFFFFFFFF  }
0xb5: {  	_ =	strace $0x90000048  }
0xb6: {  	_ =	sfence  }
0xb7: {  	s30 =	sld [smem:$0x0];
	_ =	sdelay $0x2  }
0xb8: {  	s31 =	sshll.u32 s1, $0xD;
	s1 =	sshrl.u32 s1, $0x2  }
0xb9: {  	s3 =	sand.u32 $0x4000, s31;
	s1 =	sadd.s32 s1, s30  }
0xba: {  	s0 =	sor.u32 s3, s0;
	s1 =	sshll.u32 s1, $0x11  }
0xbb: {  	s0 =	sor.u32 s1, s0  }
0xbc: {  	s0 =	sadd.s32 $0x8F2B, s0  }
0xbd: {  	[sflag:s0] =	ssyncadd.remote.s32 $0x1  }
0xbe: {  	_ =	sfence.sel $0xFFFF  }
0xbf: {  	[dreg:$0x0] =	wrdreg $0xFFFFFFFF;
	(pc) =	sbr.abs _section_cstart, $3  }
0xc0: {  	[dreg:$0x1] =	wrdreg $0xFFFFFFFF  }
0xc1: {  	_ =	task.clear_ibuf [dreg:s7], $0x2FFFF;
	_ =	strace $0x9FFFFFFF  }
0xc2: {  	(tm) =	ssettm $0x7FFFFFFF  }
0xc3: {  	_ =	shalt  }
tec
execute0_lowered:
.L_overlay_start_1:
0x0: {  	(tag) =	ssettag $0x1  }
0x1: {  	s0 =	rddreg [dreg:$0x0]  }
0x2: {  	s2 =	rddreg [dreg:$0x1];
	s3 =	simm.s32 $0x0  }
0x3: {  	s5 =	stileid.u32;
	s4 =	srdreg.scid;
	s12 =	simm.s32 $0x2  }
0x4: {  	v0 =	vimm.s32 $0xEFCDAB89;
	v1 =	vimm.s32 $0x67452301;
	s13 =	simm.s32 $0x2000;
	s14 =	simm.s32 $0x4000;
	s15 =	simm.s32 $0x100  }
0x5: {  	vm0 =	vcmask $0xB08;
	vm1 =	vcmask $0x300;
	s17 =	simm.s32 $0x18B40;
	s18 =	simm.s32 $0x10000;
	s19 =	simm.s32 $0x12010  }
0x6: {  	vm4 =	vcmask $0x2320;
	s20 =	simm.s32 $0x10;
	s21 =	simm.s32 $0x1;
	s22 =	simm.s32 $0x14020;
	v0 =	vunpack.c.l.s4.s8 v0;
	v1 =	vunpack.c.l.s4.s8 v1  }
0x7: {  	v4 =	vimm.s32 $0x85634120;
	vm5 =	vcmask $0x338;
	vm6 =	vcmask $0x2B28;
	s23 =	simm.s32 $0x8000;
	s24 =	simm.s32 $0x14820;
	s25 =	simm.s32 $0x0  }
0x8: {  	s1 =	sshrl.u32 s5, $0x2;
	s5 =	sshll.u32 s5, $0x1;
	s7 =	sand.u32 $0x1, s4;
	vm2 =	vmor vm1, vm0;
	v2 =	vunpack.c.0.s8.s32 v0;
	v3 =	vunpack.c.0.s8.s32 v1  }
0x9: {  	[smem:$0x7FF] =	sst s3;
	vm1 =	vcmask $0x1310;
	v4 =	vunpack.c.l.s4.s8 v4;
	vm0 =	vmor vm5, vm0;
	s6 =	smul.u32 $0x6000, s1;
	s28 =	sand.u32 $0x6, s5  }
0xa: {  	s29 =	smul.u32 $0x1800, s1;
	_ =	strace $0x80000047;
	vm3 =	vmor vm2, vm1;
	s8 =	sshll.u32 s1, $0x10;
	v2 =	vcombine.low v3, v2;
	v3 =	vimm.s32 $0xFDEBC9A7  }
0xb: {  	vm2 =	vcmask $0x1B18;
	s10 =	smul.u32 $0x218000, s1;
	vm0 =	vmor vm0, vm1;
	s4 =	sor.u32 s7, s28;
	s7 =	ssub.s32 $0x2, s7;
	v3 =	vunpack.c.l.s4.s8 v3  }
0xc: {  	v0 =	vimm.s32 $0x0;
	v1 =	vlaneseq.u32;
	vm3 =	vmor vm3, vm2;
	s6 =	sshrl.u32 s6, $0x3;
	s4 =	sshll.u32 s4, $0x8;
	s9 =	sshrl.u32 s7, $0x1  }
0xd: {  	v4 =	vunpack.c.0.s8.s32 v4;
	vm0 =	vmor vm0, vm2;
	s6 =	sadd.s32 s6, s0;
	s5 =	sor.u32 s29, s4;
	s7 =	ssub.s32 s7, s9;
	v3 =	vunpack.c.0.s8.s32 v3  }
0xe: {  	vm2 =	vcmask $0x3330;
	vm3 =	vmor vm3, vm4;
	vm0 =	vmor vm0, vm4;
	s5 =	sshrl.u32 s5, $0x3;
	s30 =	sadd.s32 $0x1400, s6;
	s31 =	sadd.s32 $0x1800, s6  }
0xf: {  	vm1 =	vmor vm3, vm6;
	vm3 =	vcmask $0x3B38;
	s6 =	sadd.s32 $0x1C00, s6;
	s11 =	smax.u32 s7, $0x1;
	[dreg:$0x3] =	wrdreg s30;
	v3 =	vcombine.low v4, v3  }
0x10: {  	vm4 =	vmor vm0, vm6;
	vm1 =	vmor vm1, vm2;
	s5 =	sadd.s32 s5, s0;
	s0 =	sadd.s32 s8, s0;
	[dreg:$0x4] =	wrdreg s31;
	v2 =	vand.u32 $0xF, v2  }
0x11: {  	[dreg:$0x5] =	wrdreg s6;
	vm0 =	vmor vm1, vm3;
	vm1 =	vmor vm4, vm2;
	s8 =	sadd.s32 $0x800, s5;
	s9 =	sadd.s32 $0x4400, s0;
	v3 =	vand.u32 $0xF, v3  }
.LBB2_1:
0x12: {  	s0 =	rddreg [dreg:$0x3]  }
0x13: {  	[tilespmem:s3], [sflag:$0x2] =	stream.linear.gather [hbm4b:s0+s3], $0x2000, $0x38;
	[tilespmem:$0x18E40] =	vst v63  }
0x14: {  	_ =	swait.ge [sflag:s12], $0x2000  }
0x15: {  	[sflag:s12] =	ssyncset.done $0x0  }
0x16: {  	s29 =	rddreg [dreg:$0x4];
	[sflag:s12] =	ssyncadd.s32 $0xFFFFE000  }
0x17: {  	[tilespmem:s13], [sflag:$0x2] =	stream.linear.gather [hbm4b:s29+s3], $0x2000, $0x38;
	[tilespmem:$0x18E40] =	vst v63  }
0x18: {  	_ =	swait.ge [sflag:s12], $0x2000  }
0x19: {  	[sflag:s12] =	ssyncset.done $0x0  }
0x1a: {  	s30 =	rddreg [dreg:$0x5];
	[sflag:s12] =	ssyncadd.s32 $0xFFFFE000  }
0x1b: {  	[tilespmem:s14], [sflag:$0x2] =	stream.linear.gather [hbm4b:s30+s3], $0x2000, $0x38;
	[tilespmem:$0x18E40] =	vst v63  }
0x1c: {  	_ =	swait.ge [sflag:s12], $0x2000  }
0x1d: {  	[sflag:s12] =	ssyncset.done $0x0  }
0x1e: {  	s31 =	simm.s32 $0x800;
	[sflag:s12] =	ssyncadd.s32 $0xFFFFE000  }
0x1f: {  	[tilespmem:s17], [sflag:$0x2] =	stream.strided.gather [hbm4b:s8+s15], $0x300, s31, s15, $0x38;
	[tilespmem:$0x18E40] =	vst v63  }
0x20: {  	_ =	swait.ge [sflag:s12], $0x300  }
0x21: {  	[sflag:s12] =	ssyncset.done $0x0  }
0x22: {  	s1 =	simm.s32 $0x0;
	[sflag:s12] =	ssyncadd.s32 $0xFFFFFD00  }
0x23: {  	v4 =	vld [tilespmem:s1+$0x0]  }
0x24: {  	v5 =	vld [tilespmem:s1+$0x2000]  }
0x25: {  	v8 =	vld [tilespmem:s1+$0x4000];
	_ =	sdelay $0x3  }
0x26: {  	s0 =	simm.s32 $0x10;
	v7 =	vmul.f32 v4, v4;
	v9 =	vmul.f32 v5, v5;
	v10 =	vshrl.u32 v4, $0x10  }
0x27: {  	v6 =	vld [tilespmem:s0+$0x0];
	v11 =	vshrl.u32 v5, $0x10;
	v12 =	vmul.f32 v8, v8;
	v13 =	vshrl.u32 v8, $0x10  }
0x28: {  	v10 =	vand.u32 $0x1, v10;
	v11 =	vand.u32 $0x1, v11;
	v9 =	vadd.f32 v9, v7;
	v7 =	vld [tilespmem:s0+$0x2000]  }
0x29: {  	v10 =	vadd.s32 v10, v4;
	v5 =	vadd.s32 v11, v5;
	v11 =	vand.u32 $0x1, v13  }
0x2a: {  	v4 =	vld [tilespmem:s0+$0x4000];
	v10 =	vadd.s32 $0x7FFF, v10;
	v8 =	vadd.s32 v11, v8  }
0x2b: {  	v5 =	vadd.s32 $0x7FFF, v5;
	v9 =	vadd.f32 v12, v9;
	v10 =	vand.u32 $0xFFFF0000, v10  }
0x2c: {  	v11 =	vshrl.u32 v6, $0x10;
	v8 =	vadd.s32 $0x7FFF, v8;
	v13 =	vand.u32 $0xFFFF0000, v5;
	[tilespmem:s1+$0x6000] =	vst v10  }
0x2d: {  	s5 =	simm.s32 $0x20;
	[tilespmem:s1+$0xC000] =	vst v9;
	v9 =	vmul.f32 v6, v6;
	v10 =	vshrl.u32 v7, $0x10;
	v12 =	vmul.f32 v7, v7  }
0x2e: {  	s6 =	simm.s32 $0xC0;
	v11 =	vand.u32 $0x1, v11;
	v8 =	vand.u32 $0xFFFF0000, v8;
	v5 =	vld [tilespmem:s5+$0x0];
	[tilespmem:s1+$0x8000] =	vst v13;
	v10 =	vand.u32 $0x1, v10  }
.LBB2_2:
0x2f: {  	p0 =	sne.s32 s6, $0x7FC0;
	v13 =	vld [tilespmem:s5+$0x2000];
	v9 =	vadd.f32 v12, v9;
	v12 =	vmul.f32 v4, v4;
	v14 =	vshrl.u32 v4, $0x10;
	[tilespmem:s1+$0xA000] =	vst v8;
	s1 =	smov.u32 s0;
	s0 =	smov.u32 s5  }
0x30: {  	v6 =	vadd.s32 v11, v6;
	v7 =	vadd.s32 v10, v7;
	v8 =	vand.u32 $0x1, v14  }
.Ltmp0:
0x31: {  	v15 =	vadd.s32 $0x7FFF, v6;
	v9 =	vadd.f32 v12, v9;
	v8 =	vadd.s32 v8, v4;
	v4 =	vld [tilespmem:s0+$0x4000];
	(pc) =	sbr.rel @p0 .LBB2_2-.Ltmp0, $4  }
0x32: {  	v10 =	vand.u32 $0xFFFF0000, v15;
	v12 =	vadd.s32 $0x7FFF, v7;
	v16 =	vadd.s32 $0x7FFF, v8  }
0x33: {  	v14 =	vand.u32 $0xFFFF0000, v12;
	v11 =	vshrl.u32 v5, $0x10;
	[tilespmem:s1+$0xC000] =	vst v9;
	v8 =	vand.u32 $0xFFFF0000, v16;
	v6 =	vmovc v5  }
0x34: {  	s5 =	sshra.s32 s6, $0x2;
	v9 =	vmul.f32 v5, v6;
	v12 =	vmul.f32 v13, v13;
	v15 =	vshrl.u32 v13, $0x10;
	[tilespmem:s1+$0x6000] =	vst v10;
	v7 =	vmovc v13  }
0x35: {  	s6 =	sadd.s32 $0x40, s6;
	v11 =	vand.u32 $0x1, v11;
	v5 =	vld [tilespmem:s5+$0x0];
	v10 =	vand.u32 $0x1, v15;
	[tilespmem:s1+$0x8000] =	vst v14  }
0x36: {  	v13 =	vld [tilespmem:s5+$0x2000];
	v9 =	vadd.f32 v12, v9;
	[tilespmem:s1+$0xA000] =	vst v8;
	v51 =	vmul.f32 v4, v4  }
0x37: {  	v52 =	vshrl.u32 v4, $0x10;
	v6 =	vadd.s32 v11, v6;
	v7 =	vadd.s32 v10, v7;
	v53 =	vld [tilespmem:s5+$0x4000]  }
0x38: {  	v54 =	vand.u32 $0x1, v52;
	v6 =	vadd.s32 $0x7FFF, v6;
	v7 =	vadd.s32 $0x7FFF, v7  }
0x39: {  	v8 =	vadd.f32 v51, v9;
	v4 =	vadd.s32 v54, v4;
	v6 =	vand.u32 $0xFFFF0000, v6  }
0x3a: {  	v7 =	vand.u32 $0xFFFF0000, v7;
	v4 =	vadd.s32 $0x7FFF, v4;
	v55 =	vmul.f32 v5, v5  }
0x3b: {  	v57 =	vshrl.u32 v5, $0x10;
	v4 =	vand.u32 $0xFFFF0000, v4;
	v56 =	vmul.f32 v13, v13  }
0x3c: {  	[tilespmem:s0+$0x6000] =	vst v6;
	v58 =	vshrl.u32 v13, $0x10;
	v60 =	vand.u32 $0x1, v57;
	v59 =	vmul.f32 v53, v53  }
0x3d: {  	[tilespmem:s0+$0xC000] =	vst v8;
	v8 =	vand.u32 $0x1, v58;
	v61 =	vshrl.u32 v53, $0x10;
	v5 =	vadd.s32 v60, v5  }
0x3e: {  	[tilespmem:s0+$0xA000] =	vst v4;
	v9 =	vadd.f32 v56, v55;
	v4 =	vadd.s32 v8, v13;
	v5 =	vadd.s32 $0x7FFF, v5  }
0x3f: {  	[tilespmem:s0+$0x8000] =	vst v7;
	v7 =	vand.u32 $0x1, v61;
	v5 =	vand.u32 $0xFFFF0000, v5;
	v4 =	vadd.s32 $0x7FFF, v4  }
0x40: {  	v7 =	vadd.s32 v7, v53;
	v62 =	vadd.f32 v59, v9;
	v4 =	vand.u32 $0xFFFF0000, v4;
	[tilespmem:s5+$0x6000] =	vst v5  }
0x41: {  	v63 =	vadd.s32 $0x7FFF, v7;
	[tilespmem:s5+$0x8000] =	vst v4  }
0x42: {  	v5 =	vand.u32 $0xFFFF0000, v63;
	[tilespmem:s5+$0xC000] =	vst v62  }
0x43: {  	s26 =	simm.s32 $0x0;
	[tilespmem:s5+$0xA000] =	vst v5  }
.LBB2_4:
.Ltmp1:
0x44: {  	(pc) =	sbr.rel .LBB2_5-.Ltmp1, $2  }
0x45: {  	_ =	sdelay $0x2  }
0x46: {  	s28 =	sshll.u32 s26, $0x4;
	s29 =	simm.s32 $0x14B10;
	s30 =	simm.s32 $0x0  }
.LBB2_21:
0x47: {  	s0 =	sand.u32 $0x1, s30;
	s30 =	sadd.s32 $0x1, s30  }
0x48: {  	p0 =	sne.s32 s30, $0x10  }
.Ltmp2:
0x49: {  	_ = 	snop;
	(pc) =	sbr.rel @!p0 .LBB2_22-.Ltmp2, $4  }
0x4a: {  	_ = 	snop  }
0x4b: {  	s1 =	sshll.u32 s0, $0x4;
	s0 =	sshll.u32 s0, $0xA  }
0x4c: {  	s29 =	sadd.s32 $0x10, s29;
	s5 =	sor.u32 $0x18B20, s1;
	[tilespmem:s1+$0x18B20] =	vst v7;
	s0 =	sor.u32 $0x14020, s0  }
0x4d: {  	[tilespmem:s0], [sflag:$0x1] =	stream.indirect.gather [hbm4b:s9+s20], $0x40, s5, s20, $0xb8;
	[tilespmem:$0x18E40] =	vst v63  }
.LBB2_5:
0x4e: {  	s0 =	sor.u32 s28, s30  }
0x4f: {  	v4 =	vmov s0  }
0x50: {  	v5 =	vand.u32 $0xFF, v4  }
0x51: {  	v7 =	vor.u32 $0x100, v5;
	_ =	sdelay $0x1  }
0x52: {  	v8 =	vor.u32 $0x200, v5  }
0x53: {  	v6 =	vld.idx.msk [tilespmem:v4+s17+$0x0], $0xffff;
	_ =	sdelay $0x1  }
0x54: {  	s7 =	simm.s32 $0xC020;
	v5 =	vld.idx.msk [tilespmem:v7+s17+$0x0], $0xffff  }
0x55: {  	v12 =	vld [tilespmem:s7+$0x10]  }
0x56: {  	s1 =	simm.s32 $0x8020;
	v4 =	vld.idx.msk [tilespmem:v8+s17+$0x0], $0xffff  }
0x57: {  	s5 =	simm.s32 $0x6020;
	v11 =	vld [tilespmem:s1+$0x10];
	v7 =	vshrl.u32 v6, $0x10  }
0x58: {  	s31 =	simm.s32 $0xA020;
	v13 =	vld [tilespmem:s5+$0x10];
	v7 =	vand.u32 $0x1, v7  }
0x59: {  	v15 =	vld [tilespmem:s31+$0x10];
	v17 =	vmul.f32 v6, v6;
	v9 =	vshrl.u32 v5, $0x10;
	v7 =	vadd.s32 v7, v6  }
0x5a: {  	v19 =	vld [tilespmem:s5+$0x0];
	v18 =	vmul.f32 v5, v5;
	v9 =	vand.u32 $0x1, v9;
	v7 =	vadd.s32 $0x7FFF, v7  }
0x5b: {  	v8 =	vld [tilespmem:s1+$0xFFFFFFE0];
	v14 =	vshrl.u32 v4, $0x10;
	v10 =	vadd.s32 v9, v5;
	v9 =	vand.u32 $0xFFFF0000, v7  }
0x5c: {  	v17 =	vadd.f32 v18, v17;
	v18 =	vld [tilespmem:s5+$0xFFFFFFE0];
	v7 =	vadd.s32 $0x7FFF, v10;
	v10 =	vand.u32 $0x1, v14  }
0x5d: {  	v14 =	vld [tilespmem:s1+$0x0];
	v16 =	vadd.s32 v10, v4  }
0x5e: {  	v10 =	vand.u32 $0xFFFF0000, v7;
	v7 =	vadd.s32 $0x7FFF, v16;
	v16 =	vmul.f32 v4, v4  }
0x5f: {  	v20 =	vld [tilespmem:s31+$0x0];
	v22 =	vmul.f32 v9, v13;
	v23 =	vmul.f32 v10, v11  }
0x60: {  	v26 =	vmul.f32 v10, v8;
	v11 =	vand.u32 $0xFFFF0000, v7;
	v7 =	vadd.f32 v16, v17  }
0x61: {  	v17 =	vmul.f32 v11, v15;
	v24 =	vadd.f32 v23, v22;
	v27 =	vmul.f32 v9, v18  }
0x62: {  	v25 =	vld [tilespmem:s31+$0xFFFFFFE0];
	v15 =	vmul.f32 v9, v19;
	v14 =	vmul.f32 v10, v14;
	v8 =	vadd.f32 v12, v7  }
0x63: {  	v16 =	vadd.f32 v17, v24;
	v21 =	vadd.f32 v26, v27  }
0x64: {  	v12 =	vmul.f32 v11, v20;
	v31 =	vsub.f32 v24, v22;
	v30 =	vadd.f32 v14, v15  }
0x65: {  	v18 =	vsub.f32 v16, v24;
	v32 =	vsub.f32 v21, v27  }
0x66: {  	v38 =	vsub.f32 v24, v31;
	v13 =	vadd.f32 v12, v30  }
0x67: {  	v19 =	vmul.f32 v11, v25;
	v36 =	vsub.f32 v30, v15;
	v20 =	vsub.f32 v16, v18  }
0x68: {  	v29 =	vld [tilespmem:s1+$0xFFFFFFF0];
	v25 =	vsub.f32 v17, v18;
	v28 =	vsub.f32 v13, v30  }
0x69: {  	v33 =	vld [tilespmem:s5+$0xFFFFFFF0];
	v17 =	vadd.f32 v19, v21;
	v37 =	vsub.f32 v26, v32  }
0x6a: {  	v34 =	vld [tilespmem:s31+$0xFFFFFFF0];
	v18 =	vsub.f32 v14, v36;
	v14 =	vsub.f32 v13, v28  }
0x6b: {  	v20 =	vsub.f32 v24, v20;
	v12 =	vsub.f32 v12, v28  }
0x6c: {  	v28 =	vsub.f32 v21, v32;
	v14 =	vsub.f32 v30, v14  }
0x6d: {  	v26 =	vmul.f32 v10, v29;
	v32 =	vsub.f32 v17, v21;
	v24 =	vadd.f32 v20, v25  }
0x6e: {  	v20 =	vadd.f32 v14, v12;
	v14 =	vsub.f32 v27, v28;
	v28 =	vmul.f32 v9, v33  }
0x6f: {  	v29 =	vmul.f32 v11, v34;
	v34 =	vsub.f32 v23, v31;
	v31 =	vsub.f32 v30, v36  }
0x70: {  	v35 =	vsub.f32 v17, v32;
	v30 =	vld [tilespmem:s7+$0xFFFFFFF0];
	v27 =	vadd.f32 v26, v28  }
0x71: {  	s16 =	simm.s32 $0x0;
	s6 =	simm.s32 $0x8060;
	s0 =	simm.s32 $0xE020;
	v33 =	vsub.f32 v22, v38;
	v12 =	vld [tilespmem:s7+$0x0];
	v25 =	vadd.f32 v14, v37  }
0x72: {  	s5 =	simm.s32 $0x6060;
	s1 =	simm.s32 $0xE020;
	v22 =	vld [tilespmem:s7+$0xFFFFFFE0];
	s7 =	simm.s32 $0xC060;
	v14 =	vimm.f32 $+Inf;
	v36 =	vsub.f32 v27, v28;
	v23 =	vadd.f32 v29, v27  }
.LBB2_6:
0x73: {  	v37 =	vld [tilespmem:s6+$0xFFFFFFE0];
	s16 =	sadd.s32 $0x40, s16;
	v21 =	vsub.f32 v21, v35;
	v19 =	vsub.f32 v19, v32;
	s31 =	sadd.s32 $0x40, s31;
	s1 =	sadd.s32 $0x40, s1  }
0x74: {  	v33 =	vadd.f32 v33, v34;
	v32 =	vld [tilespmem:s7+$0x0];
	p0 =	slt.u32 s16, $0x1FC0;
	v35 =	vsub.f32 v23, v27  }
0x75: {  	v38 =	vsub.f32 v27, v36;
	v26 =	vsub.f32 v26, v36;
	v34 =	vld [tilespmem:s7+$0x10]  }
0x76: {  	v19 =	vadd.f32 v21, v19;
	v21 =	vadd.f32 v24, v33;
	v36 =	vld [tilespmem:s31+$0x0]  }
0x77: {  	v28 =	vsub.f32 v28, v38;
	v33 =	vsub.f32 v23, v35;
	v24 =	vld [tilespmem:s31+$0x10]  }
0x78: {  	v29 =	vsub.f32 v29, v35;
	v16 =	vadd.f32 v21, v16;
	v37 =	vmul.f32 v10, v37;
	v38 =	vld [tilespmem:s31+$0xFFFFFFE0]  }
0x79: {  	v30 =	vadd.f32 v30, v7;
	v27 =	vsub.f32 v27, v33;
	v21 =	vld [tilespmem:s6+$0x10]  }
0x7a: {  	v15 =	vsub.f32 v15, v31;
	v16 =	vadd.f32 v16, v16;
	v33 =	vld [tilespmem:s5+$0x10]  }
0x7b: {  	v26 =	vadd.f32 v28, v26;
	v27 =	vadd.f32 v27, v29;
	v31 =	vld [tilespmem:s31+$0xFFFFFFF0]  }
0x7c: {  	v15 =	vadd.f32 v15, v18;
	v19 =	vadd.f32 v19, v25;
	v28 =	vld [tilespmem:s6+$0x0];
	v24 =	vmul.f32 v11, v24  }
0x7d: {  	v25 =	vadd.f32 v27, v26;
	v26 =	vsub.f32 v8, v16;
	v18 =	vld [tilespmem:s5+$0xFFFFFFE0]  }
0x7e: {  	v17 =	vadd.f32 v19, v17;
	v8 =	vadd.f32 v34, v7;
	v16 =	vld [tilespmem:s5+$0x0]  }
0x7f: {  	v15 =	vadd.f32 v20, v15;
	v19 =	vadd.f32 v25, v23;
	v27 =	vld [tilespmem:s5+$0xFFFFFFF0];
	v33 =	vmul.f32 v9, v33;
	[tilespmem:s0+$0x10] =	vst v26  }
0x80: {  	v20 =	vadd.f32 v22, v7;
	v17 =	vadd.f32 v17, v17;
	v23 =	vmul.f32 v10, v21  }
0x81: {  	v13 =	vadd.f32 v15, v13;
	v22 =	vmul.f32 v11, v36;
	v21 =	vadd.f32 v19, v19  }
0x82: {  	v17 =	vsub.f32 v20, v17;
	v25 =	vmul.f32 v10, v28;
	v28 =	vadd.f32 v23, v33  }
0x83: {  	v13 =	vadd.f32 v13, v13;
	v20 =	vadd.f32 v12, v7;
	v12 =	vmovc v32;
	v19 =	vmul.f32 v11, v38  }
0x84: {  	v29 =	vmul.f32 v9, v18;
	v18 =	vsub.f32 v30, v21;
	v15 =	vmul.f32 v9, v16  }
0x85: {  	v14 =	vmin.f32 v14, v17;
	v13 =	vsub.f32 v20, v13;
	v16 =	vadd.f32 v24, v28;
	[tilespmem:s0+$0xFFFFFFE0] =	vst v17  }
0x86: {  	v34 =	vsub.f32 v28, v33;
	v14 =	vmin.f32 v14, v18;
	v30 =	vadd.f32 v25, v15;
	[tilespmem:s0+$0xFFFFFFF0] =	vst v18  }
0x87: {  	v21 =	vadd.f32 v37, v29;
	v17 =	vsub.f32 v16, v28;
	v14 =	vmin.f32 v14, v13;
	[tilespmem:s0+$0x0] =	vst v13;
	s0 =	smov.u32 s1  }
0x88: {  	v14 =	vmin.f32 v14, v26;
	v36 =	vsub.f32 v30, v15;
	v13 =	vadd.f32 v22, v30  }
0x89: {  	v20 =	vsub.f32 v16, v17;
	v24 =	vsub.f32 v24, v17  }
0x8a: {  	v17 =	vadd.f32 v19, v21;
	v32 =	vsub.f32 v13, v30;
	v26 =	vld [tilespmem:s6+$0xFFFFFFF0]  }
0x8b: {  	v35 =	vsub.f32 v21, v29;
	v18 =	vsub.f32 v25, v36  }
0x8c: {  	v25 =	vsub.f32 v13, v32;
	v22 =	vsub.f32 v22, v32  }
0x8d: {  	v37 =	vsub.f32 v37, v35;
	v20 =	vsub.f32 v28, v20  }
0x8e: {  	v35 =	vsub.f32 v21, v35;
	v25 =	vsub.f32 v30, v25  }
0x8f: {  	v38 =	vsub.f32 v28, v34;
	v24 =	vadd.f32 v20, v24;
	v26 =	vmul.f32 v10, v26  }
0x90: {  	v32 =	vsub.f32 v17, v21;
	v20 =	vadd.f32 v25, v22  }
.Ltmp3:
0x91: {  	v28 =	vmul.f32 v9, v27;
	v22 =	vsub.f32 v29, v35;
	(pc) =	sbr.rel @p0 .LBB2_6-.Ltmp3, $4  }
0x92: {  	v33 =	vsub.f32 v33, v38;
	v35 =	vsub.f32 v17, v32;
	v29 =	vmul.f32 v11, v31  }
0x93: {  	v34 =	vsub.f32 v23, v34;
	v27 =	vadd.f32 v26, v28  }
0x94: {  	v31 =	vsub.f32 v30, v36;
	v25 =	vadd.f32 v22, v37;
	v22 =	vld [tilespmem:s7+$0xFFFFFFE0]  }
0x95: {  	s5 =	sadd.s32 $0x40, s5;
	s6 =	sadd.s32 $0x40, s6;
	v36 =	vsub.f32 v27, v28;
	v23 =	vadd.f32 v29, v27;
	v30 =	vld [tilespmem:s7+$0xFFFFFFF0];
	s7 =	sadd.s32 $0x40, s7  }
0x96: {  	v9 =	vsub.f32 v21, v35;
	v11 =	vsub.f32 v19, v32  }
0x97: {  	v53 =	vadd.f32 v33, v34;
	v10 =	vsub.f32 v23, v27  }
0x98: {  	v52 =	vsub.f32 v27, v36;
	v26 =	vsub.f32 v26, v36  }
0x99: {  	v9 =	vadd.f32 v9, v11;
	v54 =	vsub.f32 v23, v10  }
0x9a: {  	v11 =	vsub.f32 v15, v31;
	v19 =	vsub.f32 v28, v52  }
0x9b: {  	v10 =	vsub.f32 v29, v10;
	v55 =	vsub.f32 v27, v54  }
0x9c: {  	v57 =	vadd.f32 v24, v53;
	v59 =	vadd.f32 v22, v7  }
0x9d: {  	v56 =	vadd.f32 v19, v26;
	v10 =	vadd.f32 v55, v10  }
0x9e: {  	v9 =	vadd.f32 v9, v25;
	v11 =	vadd.f32 v11, v18  }
0x9f: {  	v58 =	vadd.f32 v57, v16;
	v10 =	vadd.f32 v10, v56  }
0xa0: {  	v9 =	vadd.f32 v9, v17;
	v11 =	vadd.f32 v20, v11  }
0xa1: {  	v60 =	vadd.f32 v30, v7;
	v10 =	vadd.f32 v10, v23  }
0xa2: {  	v9 =	vadd.f32 v9, v9;
	v11 =	vadd.f32 v11, v13  }
0xa3: {  	v7 =	vadd.f32 v12, v7;
	v10 =	vadd.f32 v10, v10  }
0xa4: {  	v9 =	vsub.f32 v59, v9;
	v11 =	vadd.f32 v11, v11  }
0xa5: {  	v61 =	vadd.f32 v58, v58;
	v10 =	vsub.f32 v60, v10  }
0xa6: {  	v62 =	vmin.f32 v14, v9;
	v7 =	vsub.f32 v7, v11  }
0xa7: {  	v8 =	vsub.f32 v8, v61;
	v11 =	vmin.f32 v62, v10  }
0xa8: {  	v11 =	vmin.f32 v11, v7  }
0xa9: {  	v11 =	vmin.f32 v11, v8  }
0xaa: {  	[tilespmem:s0+$0x10] =	vst v8;
	(xrf0) =	vmax.scan.msk.f32 $0xffff, v11  }
0xab: {  	[tilespmem:s0+$0xFFFFFFE0] =	vst v9  }
0xac: {  	[tilespmem:s0+$0x0] =	vst v7  }
0xad: {  	s16 =	simm.s32 $0x0;
	[tilespmem:s0+$0xFFFFFFF0] =	vst v10  }
0xae: {  	v9 =	vld [tilespmem:s16+$0xE000];
	_ =	sdelay $0x1  }
0xaf: {  	v7, _, _ =	vpop (xrf0)  }
0xb0: {  	v8 =	vbroadcast v7, $0xF;
	_ =	sdelay $0x1  }
0xb1: {  	vm2 =	vle.f32 v9, v8  }
0xb2: {  	v7 =	vsel vm2, $0x1, v0  }
0xb3: {  	(xrf0) =	vadd.scan.msk.s32 $0xffff, v7;
	_ =	sdelay $0x5  }
0xb4: {  	v10 =	vimm.s32 $0x0;
	v7, _, _ =	vpop (xrf0)  }
0xb5: {  	v7 =	vadd.s32 v7, v10  }
0xb6: {  	v63 =	vadd.s32 $0xFFFFFFFF, v7;
	_ =	sdelay $0x3  }
0xb7: {  	v11 =	vmpcnt.ones.xlane vm2  }
0xb8: {  	v7 =	vlaneseq.u32;
	[tilespmem:v63+s18+$0x0] =	vst.idx.msk vm2, v9  }
0xb9: {  	s31 =	simm.s32 $0x10;
	v11 =	vadd.s32 v10, v11;
	[tilespmem:v63+s19+$0x0] =	vst.idx.msk vm2, v7  }
0xba: {  	s0 =	simm.s32 $0x80;
	v10 =	vmov v11;
	v9 =	vld [tilespmem:s31+$0xE000]  }
.LBB2_8:
0xbb: {  	p0 =	sne.s32 s0, $0x7FC0;
	_ =	sdelay $0x3  }
0xbc: {  	vm2 =	vle.f32 v9, v8  }
0xbd: {  	v12 =	vsel vm2, $0x1, v0;
	v13 =	vmpcnt.ones.xlane vm2  }
0xbe: {  	(xrf0) =	vadd.scan.msk.s32 $0xffff, v12  }
0xbf: {  	v11 =	vadd.s32 v11, v13;
	_ =	sdelay $0x4  }
0xc0: {  	v12, _, _ =	vpop (xrf0)  }
0xc1: {  	v12 =	vadd.s32 v12, v10;
	v10 =	vmov v11  }
0xc2: {  	v12 =	vadd.s32 $0xFFFFFFFF, v12;
	_ =	sdelay $0x2  }
.Ltmp4:
0xc3: {  	(pc) =	sbr.rel @p0 .LBB2_8-.Ltmp4, $4  }
0xc4: {  	_ = 	snop  }
0xc5: {  	v7 =	vadd.s32 $0x10, v7;
	[tilespmem:v12+s18+$0x0] =	vst.idx.msk vm2, v9  }
0xc6: {  	s1 =	sshra.s32 s0, $0x2;
	[tilespmem:v12+s19+$0x0] =	vst.idx.msk vm2, v7  }
0xc7: {  	s0 =	sadd.s32 $0x40, s0;
	v9 =	vld [tilespmem:s1+$0xE000]  }
0xc8: {  	_ =	sdelay $0x3  }
0xc9: {  	vm2 =	vle.f32 v9, v8  }
0xca: {  	v8 =	vmpcnt.ones.xlane vm2;
	_ =	sdelay $0x1  }
0xcb: {  	v12 =	vsel vm2, $0x1, v0;
	v8 =	vadd.s32 v11, v8  }
0xcc: {  	(xrf0) =	vadd.scan.msk.s32 $0xffff, v12;
	v11 =	vxor.u32 $0x80000000, v8  }
0xcd: {  	(xrf0) =	vmax.scan.msk.u32 $0xffff, v11;
	_ =	sdelay $0x4  }
0xce: {  	v11, _, _ =	vpop (xrf0)  }
0xcf: {  	v63, _, _ =	vpop (xrf0)  }
0xd0: {  	(v2sf) =	vpush v63, $0xF;
	_ =	sdelay $0xd  }
0xd1: {  	v10 =	vadd.s32 v11, v10  }
0xd2: {  	v10 =	vadd.s32 $0xFFFFFFFF, v10;
	s0 =	spop (v2sf)  }
0xd3: {  	s1 =	sadd.s32 $0x8000000F, s0  }
0xd4: {  	v11 =	vadd.s32 v1, v8;
	s5 =	sshra.s32 s1, $0x4  }
0xd5: {  	p0 =	slt.s32 s5, $0x1  }
.Ltmp5:
0xd6: {  	_ = 	snop;
	(pc) =	sbr.rel @p0 .LBB2_17-.Ltmp5, $4  }
0xd7: {  	v7 =	vadd.s32 $0x10, v7;
	[tilespmem:v10+s18+$0x0] =	vst.idx.msk vm2, v9  }
0xd8: {  	[tilespmem:v10+s19+$0x0] =	vst.idx.msk vm2, v7;
	v7 =	vimm.f32 $+Inf;
	s0 =	simm.s32 $0x10000  }
0xd9: {  	v8 =	vimm.s32 $0x0;
	[tilespmem:v11+s0+$0x0] =	vst.idx.msk $0xffff, v7;
	s1 =	simm.s32 $0x12010  }
0xda: {  	[tilespmem:v11+s1+$0x0] =	vst.idx.msk $0xffff, v8  }
0xdb: {  	p2 =	sne.s32 s5, $0x1  }
.Ltmp6:
0xdc: {  	_ = 	snop;
	(pc) =	sbr.rel @!p2 .LBB2_11-.Ltmp6, $3  }
0xdd: {  	_ =	sdelay $0x1  }
0xde: {  	v10 =	vld [tilespmem:s0+$0x0]  }
0xdf: {  	v11 =	vld [tilespmem:s1+$0x0];
	s5 =	sadd.s32 $0xFFFFFFFF, s5;
	p0 =	por $0x0, $0x0;
	p1 =	por $0x0, $0x0  }
0xe0: {  	p2 =	sne.s32 s5, $0x1  }
.Ltmp7:
0xe1: {  	_ = 	snop;
	(pc) =	sbr.rel @!p2 .LBB2_13-.Ltmp7, $4  }
0xe2: {  	_ = 	snop  }
0xe3: {  	s0 =	sadd.s32 $0x10, s0  }
0xe4: {  	s1 =	sadd.s32 $0x10, s1;
	(xrf1) =	vsort.ascd.msk.f32 $0xffff, v10, v11;
	v10 =	vld [tilespmem:s0+$0x0]  }
0xe5: {  	s5 =	sadd.s32 $0xFFFFFFFF, s5;
	v9 =	vmul.u32 $0xFFFFFFFF, v1;
	p0 =	por $0x1, $0x1;
	v11 =	vld [tilespmem:s1+$0x0]  }
0xe6: {  	_ =	sdelay $0xb  }
0xe7: {  	v12 =	vadd.s32 $0xF, v9;
	v13, v14, _ =	vpop (xrf1)  }
0xe8: {  	v13 =	vperm.xlane v13, v12  }
0xe9: {  	v12 =	vperm.xlane v14, v12  }
0xea: {  	(xrf1) =	vsort.ascd.msk.f32 $0xffff, v10, v11;
	vm2 =	vle.f32 v7, v13  }
0xeb: {  	v11 =	vmin.f32 v7, v13;
	v12 =	vsel vm2, v8, v12  }
0xec: {  	(xrf1) =	vsort.ascd.msk.f32 $0xffff, v11, v12;
	_ =	sdelay $0x4  }
0xed: {  	p2 =	sne.s32 s5, $0x1  }
.Ltmp8:
0xee: {  	_ = 	snop;
	(pc) =	sbr.rel @!p2 .LBB2_16-.Ltmp8, $4  }
0xef: {  	_ = 	snop  }
0xf0: {  	s0 =	sadd.s32 $0x10, s0  }
0xf1: {  	s1 =	sadd.s32 $0x10, s1;
	v10 =	vld [tilespmem:s0+$0x0]  }
0xf2: {  	s5 =	sadd.s32 $0xFFFFFFFF, s5;
	p1 =	por $0x1, $0x1;
	v11 =	vld [tilespmem:s1+$0x0]  }
.LBB2_15:
0xf3: {  	p2 =	sne.s32 s5, $0x1  }
0xf4: {  	v12 =	vadd.s32 $0xF, v9;
	v13, v14, _ =	vpop (xrf1)  }
0xf5: {  	v13 =	vperm.xlane v13, v12  }
0xf6: {  	v12 =	vperm.xlane v14, v12;
	v14, v15, _ =	vpop (xrf1)  }
0xf7: {  	(xrf1) =	vsort.ascd.msk.f32 $0xffff, v10, v11;
	vm2 =	vle.f32 v14, v13  }
0xf8: {  	v10 =	vmin.f32 v14, v13;
	v11 =	vsel vm2, v15, v12  }
0xf9: {  	(xrf1) =	vsort.ascd.msk.f32 $0xffff, v10, v11;
	_ =	sdelay $0x5  }
.Ltmp9:
0xfa: {  	(pc) =	sbr.rel @p2 .LBB2_15-.Ltmp9, $4  }
0xfb: {  	_ = 	snop  }
0xfc: {  	s0 =	sadd.s32 $0x10, s0  }
0xfd: {  	s1 =	sadd.s32 $0x10, s1;
	v10 =	vld [tilespmem:s0+$0x0]  }
0xfe: {  	s5 =	sadd.s32 $0xFFFFFFFF, s5;
	v11 =	vld [tilespmem:s1+$0x0]  }
.LBB2_16:
0xff: {  	_ =	sdelay $0x1  }
0x100: {  	v9 =	vadd.s32 @p0 $0xF, v9;
	v12, v13, _ =	vpop @p0 (xrf1)  }
0x101: {  	v12 =	vperm.xlane @p0 v12, v9;
	v14, v15, _ =	vpop @p1 (xrf1)  }
0x102: {  	v9 =	vperm.xlane @p0 v13, v9;
	v13 =	vpsel p1, v14, v7  }
0x103: {  	v14 =	vpsel p1, v15, v8;
	vm2 =	vle.f32 @p0 v13, v12  }
0x104: {  	(xrf1) =	vsort.ascd.msk.f32 $0xffff, v10, v11;
	v10 =	vmin.f32 @p0 v13, v12;
	v9 =	vsel @p0 vm2, v14, v9  }
0x105: {  	(xrf1) =	vsort.ascd.msk.f32 @p0 $0xffff, v10, v9;
	_ =	sdelay $0xa  }
0x106: {  	v9 =	vmul.u32 $0xFFFFFFFF, v1;
	_ =	sdelay $0x1  }
0x107: {  	v9 =	vadd.s32 $0xF, v9;
	v10, v11, _ =	vpop (xrf1)  }
0x108: {  	v10 =	vperm.xlane v10, v9;
	v12, v13, _ =	vpop @p0 (xrf1)  }
0x109: {  	v9 =	vperm.xlane v11, v9;
	v7 =	vpsel p0, v12, v7  }
0x10a: {  	v8 =	vpsel p0, v13, v8;
	vm2 =	vle.f32 v7, v10  }
0x10b: {  	v7 =	vmin.f32 v7, v10;
	v8 =	vsel vm2, v8, v9  }
0x10c: {  	(xrf1) =	vsort.ascd.msk.f32 $0xffff, v7, v8;
	_ =	sdelay $0xd  }
0x10d: {  	v7, v8, _ =	vpop (xrf1)  }
.LBB2_17:
0x10e: {  	_ =	sdelay $0x1  }
0x10f: {  	[tilespmem:$0x10000] =	vst v7  }
0x110: {  	[tilespmem:$0x12010] =	vst v8  }
0x111: {  	v9 =	vld.idx.msk [tilespmem:v2+s19+$0x0], $0xffff;
	_ =	sdelay $0x1  }
0x112: {  	v10 =	vld.idx.msk [tilespmem:v2+s18+$0x0], $0xffff;
	_ =	sdelay $0x2  }
0x113: {  	vm2 =	vgt.s32 v8, v9  }
0x114: {  	v11 =	vsel vm2, v9, v8;
	v9 =	vsel vm2, v8, v9  }
0x115: {  	vm2 =	veq.f32 v7, v10;
	v9 =	vsel vm0, v11, v9  }
0x116: {  	[tilespmem:$0x10000] =	vst v7;
	v8 =	vsel vm2, v9, v8  }
0x117: {  	[tilespmem:$0x12010] =	vst v8  }
0x118: {  	v58 =	vld.idx.msk [tilespmem:v3+s19+$0x0], $0xffff;
	_ =	sdelay $0x1  }
0x119: {  	v59 =	vld.idx.msk [tilespmem:v3+s18+$0x0], $0xffff;
	_ =	sdelay $0x2  }
0x11a: {  	vm2 =	vgt.s32 v8, v58  }
0x11b: {  	v60 =	vsel vm2, v58, v8;
	v9 =	vsel vm2, v8, v58  }
0x11c: {  	vm2 =	veq.f32 v7, v59;
	v9 =	vsel vm1, v9, v60  }
0x11d: {  	[tilespmem:$0x10000] =	vst v7;
	v8 =	vsel vm2, v9, v8  }
0x11e: {  	[tilespmem:$0x12010] =	vst v8  }
0x11f: {  	v61 =	vld.idx.msk [tilespmem:v2+s19+$0x0], $0xffff;
	_ =	sdelay $0x1  }
0x120: {  	v62 =	vld.idx.msk [tilespmem:v2+s18+$0x0], $0xffff;
	_ =	sdelay $0x2  }
0x121: {  	vm2 =	vgt.s32 v8, v61  }
0x122: {  	v63 =	vsel vm2, v61, v8;
	v9 =	vsel vm2, v8, v61  }
0x123: {  	vm2 =	veq.f32 v7, v62;
	v7 =	vsel vm0, v63, v9  }
0x124: {  	v7 =	vsel vm2, v7, v8;
	_ =	sdelay $0x4  }
0x125: {  	v8 =	vld.idx.msk [tilespmem:v7+s3+$0x0], $0xffff;
	_ =	sdelay $0x4  }
0x126: {  	s0 =	sshll.u32 s30, $0x4;
	v6 =	vsub.f32 v8, v6  }
0x127: {  	s0 =	sand.u32 $0x3FFFFFF0, s0  }
0x128: {  	[tilespmem:s0+$0x14820] =	vst v6  }
0x129: {  	v6 =	vld.idx.msk [tilespmem:v7+s13+$0x0], $0xffff;
	_ =	sdelay $0x4  }
0x12a: {  	v5 =	vsub.f32 v6, v5;
	_ =	sdelay $0x1  }
0x12b: {  	[tilespmem:s0+$0x14920] =	vst v5  }
0x12c: {  	v5 =	vld.idx.msk [tilespmem:v7+s14+$0x0], $0xffff;
	_ =	sdelay $0x1  }
0x12d: {  	p0 =	seq.s32 s30, $0x0  }
.Ltmp10:
0x12e: {  	_ = 	snop;
	(pc) =	sbr.rel @p0 .LBB2_21-.Ltmp10, $3  }
0x12f: {  	_ = 	snop  }
0x130: {  	v4 =	vsub.f32 v5, v4;
	_ =	sdelay $0x1  }
0x131: {  	[tilespmem:s0+$0x14A20] =	vst v4  }
0x132: {  	s0 =	sadd.s32 $0xFFFFFFFF, s30  }
0x133: {  	s1 =	simm.s32 $0x0;
	s0 =	sand.u32 $0x1, s0  }
0x134: {  	v5 =	vmov s1;
	s0 =	sshll.u32 s0, $0xA  }
0x135: {  	v5 =	vand.u32 $0x3F, v5;
	v4 =	vmov s0  }
0x136: {  	v5 =	vadd.s32 v4, v5  }
0x137: {  	v6 =	vbroadcast v5, $0x0;
	v5 =	vmul.u32 $0x40, v1;
	_ =	sdelay $0x1  }
0x138: {  	s7 =	simm.s32 $0x1;
	v6 =	vor.u32 v5, v6  }
0x139: {  	v8 =	vmov s7  }
0x13a: {  	_ =	swait.ge [sflag:s21], $0x400;
	v8 =	vand.u32 $0x3F, v8  }
0x13b: {  	[sflag:s21] =	ssyncset.done $0x0;
	v8 =	vadd.s32 v4, v8  }
0x13c: {  	[sflag:s21] =	ssyncadd.s32 $0xFFFFFC00;
	v8 =	vbroadcast v8, $0x0  }
0x13d: {  	v6 =	vld.idx.msk [tilespmem:v6+s22+$0x0], $0xffff  }
0x13e: {  	s16 =	simm.s32 $0x2;
	v8 =	vor.u32 v5, v8  }
0x13f: {  	v9 =	vmov s16  }
0x140: {  	v9 =	vand.u32 $0x3F, v9  }
0x141: {  	v9 =	vadd.s32 v4, v9  }
0x142: {  	v9 =	vbroadcast v9, $0x0;
	[tilespmem:s29+$0x0] =	vst v6  }
0x143: {  	v8 =	vld.idx.msk [tilespmem:v8+s22+$0x0], $0xffff  }
0x144: {  	v6 =	vor.u32 v5, v9  }
0x145: {  	s31 =	simm.s32 $0x3  }
0x146: {  	s1 =	simm.s32 $0x4;
	s0 =	smov.u32 s29;
	v9 =	vmov s31  }
.LBB2_19:
0x147: {  	p0 =	sne.s32 s1, $0x3F;
	v9 =	vand.u32 $0x3F, v9;
	s0 =	sadd.s32 $0x100, s0  }
0x148: {  	v9 =	vadd.s32 v4, v9;
	[tilespmem:s0+$0x0] =	vst v8  }
.Ltmp11:
0x149: {  	v9 =	vbroadcast v9, $0x0;
	v8 =	vld.idx.msk [tilespmem:v6+s22+$0x0], $0xffff;
	(pc) =	sbr.rel @p0 .LBB2_19-.Ltmp11, $3  }
0x14a: {  	_ = 	snop  }
0x14b: {  	v6 =	vor.u32 v5, v9;
	_ =	sdelay $0x1  }
0x14c: {  	v9 =	vmov s1;
	s1 =	sadd.s32 $0x1, s1  }
0x14d: {  	_ = 	snop  }
0x14e: {  	v9 =	vand.u32 $0x3F, v9  }
0x14f: {  	s0 =	sadd.s32 $0x100, s0;
	v4 =	vadd.s32 v4, v9  }
0x150: {  	[tilespmem:s0+$0x0] =	vst v8;
	v4 =	vbroadcast v4, $0x0  }
0x151: {  	v6 =	vld.idx.msk [tilespmem:v6+s22+$0x0], $0xffff  }
0x152: {  	v4 =	vor.u32 v5, v4;
	_ =	sdelay $0x2  }
0x153: {  	s0 =	sadd.s32 $0x100, s0  }
0x154: {  	[tilespmem:s0+$0x0] =	vst v6  }
0x155: {  	v4 =	vld.idx.msk [tilespmem:v4+s22+$0x0], $0xffff  }
.Ltmp12:
0x156: {  	_ = 	snop;
	(pc) =	sbr.rel .LBB2_21-.Ltmp12, $3  }
0x157: {  	_ =	sdelay $0x1  }
0x158: {  	s0 =	sadd.s32 $0x100, s0  }
0x159: {  	[tilespmem:s0+$0x0] =	vst v4  }
.LBB2_11:
.Ltmp13:
0x15a: {  	(pc) =	sbr.rel .LBB2_16-.Ltmp13, $2  }
0x15b: {  	_ =	sdelay $0x2  }
0x15c: {  	_ = 	snop  }
.LBB2_13:
.Ltmp14:
0x15d: {  	(pc) =	sbr.rel .LBB2_16-.Ltmp14, $2  }
0x15e: {  	_ =	sdelay $0x2  }
0x15f: {  	_ = 	snop  }
.LBB2_22:
0x160: {  	s0 =	simm.s32 $0x0  }
0x161: {  	v4 =	vmov s0  }
0x162: {  	v5 =	vmul.u32 $0x40, v1;
	v4 =	vand.u32 $0x3F, v4  }
0x163: {  	v6 =	vbroadcast v4, $0x0  }
0x164: {  	v4 =	vor.u32 $0x400, v5  }
0x165: {  	v5 =	vor.u32 v4, v6  }
0x166: {  	s31 =	simm.s32 $0x1  }
0x167: {  	_ =	swait.ge [sflag:s21], $0x400;
	v6 =	vmov s31  }
0x168: {  	[sflag:s21] =	ssyncset.done $0x0;
	v6 =	vand.u32 $0x3F, v6  }
0x169: {  	[sflag:s21] =	ssyncadd.s32 $0xFFFFFC00;
	v7 =	vbroadcast v6, $0x0  }
0x16a: {  	v6 =	vld.idx.msk [tilespmem:v5+s22+$0x0], $0xffff  }
0x16b: {  	v5 =	vor.u32 v4, v7;
	_ =	sdelay $0x1  }
0x16c: {  	s1 =	simm.s32 $0x2  }
0x16d: {  	s0 =	simm.s32 $0x14C10;
	v7 =	vmov s1;
	s1 =	simm.s32 $0x3  }
.LBB2_23:
0x16e: {  	p0 =	sne.s32 s1, $0x3F;
	v7 =	vand.u32 $0x3F, v7;
	[tilespmem:s0+$0x0] =	vst v6  }
0x16f: {  	v7 =	vbroadcast v7, $0x0;
	v6 =	vld.idx.msk [tilespmem:v5+s22+$0x0], $0xffff  }
.Ltmp15:
0x170: {  	(pc) =	sbr.rel @p0 .LBB2_23-.Ltmp15, $2  }
0x171: {  	v5 =	vor.u32 v4, v7;
	_ =	sdelay $0x2  }
0x172: {  	s0 =	sadd.s32 $0x100, s0;
	v7 =	vmov s1;
	s1 =	sadd.s32 $0x1, s1  }
0x173: {  	_ =	sdelay $0x1  }
0x174: {  	v7 =	vand.u32 $0x3F, v7  }
0x175: {  	[tilespmem:s0+$0x0] =	vst v6;
	v63 =	vbroadcast v7, $0x0  }
0x176: {  	v5 =	vld.idx.msk [tilespmem:v5+s22+$0x0], $0xffff  }
0x177: {  	v4 =	vor.u32 v4, v63;
	_ =	sdelay $0x2  }
0x178: {  	s30 =	sadd.s32 $0x100, s0  }
0x179: {  	[tilespmem:s30+$0x0] =	vst v5  }
0x17a: {  	v4 =	vld.idx.msk [tilespmem:v4+s22+$0x0], $0xffff  }
0x17b: {  	s1 =	sadd.s32 s4, s28  }
0x17c: {  	s1 =	sshll.u32 s1, $0x4  }
0x17d: {  	s26 =	sadd.s32 $0x1, s26;
	s1 =	sadd.s32 s10, s1  }
0x17e: {  	s0 =	sadd.s32 $0x100, s30;
	p0 =	sne.s32 s26, $0x10;
	s1 =	sshrl.u32 s1, $0x3  }
.Ltmp16:
0x17f: {  	s31 =	sadd.s32 s2, s1;
	[tilespmem:s0+$0x0] =	vst v4;
	(pc) =	sbr.rel @p0 .LBB2_4-.Ltmp16, $4  }
0x180: {  	[hbm4b:s31+s15] =	stream.strided.scatter [tilespmem:s24], [sflag:$0x2], $0x4300, s23, s15, $0x38;
	[tilespmem:$0x18E40] =	vst v63  }
0x181: {  	_ =	swait.ge [sflag:s12], $0x4300  }
0x182: {  	[sflag:s12] =	ssyncset.done $0x0  }
0x183: {  	[sflag:s12] =	ssyncadd.s32 $0xFFFFBD00  }
0x184: {  	s25 =	sadd.s32 $0x1, s25  }
0x185: {  	p0 =	sne.s32 s25, s11  }
.Ltmp17:
0x186: {  	_ = 	snop;
	(pc) =	sbr.rel @p0 .LBB2_1-.Ltmp17, $1  }
0x187: {  	_ =	sdelay $0x3  }
0x188: {  	_ =	sfence.sel $0x180000  }
0x189: {  	[bflag:$0x0] =	sbarrier.arrive $0xFFFF  }
0x18a: {  	_ =	strace $0x90000047  }
0x18b: {  	s0 =	stileid.u32;
	[bflag:$0x2] =	sbarrier.arrive $0xFFFF  }
0x18c: {  	p0 =	sne.s32 s0, $0x0;
	s0 =	rddreg [dreg:$0x2]  }
0x18d: {  	s0 =	sadd.s32 @!p0 $0x100000, s0  }
0x18e: {  	[sflag:s0] =	ssyncadd.tile.s32 @!p0 $0x1;
	_ =	shalt  }
.Lfunc_end2:
_tile_overlayer_lowered:
.L_overlay_start_2:
0x18f: {  	(tag) =	ssettag $0x2  }
0x190: {  	s0 =	rddreg [dreg:$0x0];
	s2 =	stileid.u32  }
0x191: {  	s1 =	rddreg [dreg:$0x1];
	p0 =	sne.s32 s2, $0x0  }
0x192: {  	s3 =	rddreg [dreg:$0x2];
	[bflag:$0x3] =	sbarrier.arrive $0xFFFF;
	s2 =	simm.s32 @!p0 $0x1C02  }
0x193: {  	[timem:s3], [sflag:s2] =	dma.local @!p0 [hbm:s0], s1  }
0x194: {  	s0 =	simm.s32 @!p0 $0x2  }
0x195: {  	_ =	swait.ge @!p0 [sflag:s0], s1  }
0x196: {  	s1 =	ssub.s32 @!p0 $0x0, s1;
	[sflag:s0] =	ssyncset.done @!p0 $0x0  }
0x197: {  	[sflag:s0] =	ssyncadd.s32 @!p0 s1  }
0x198: {  	[bflag:$0x3] =	sbarrier.arrive $0xFFFF  }
0x199: {  	_ =	shalt  }

// kernel: sparse-core-data-format-call.cloned.1.call-start
scs
called_computation_lowered:
.L_overlay_start_0:
0x0: {  	s2 =	sld [smem:$0x3FD9]  }
0x1: {  	s3 =	sld [smem:$0x3FFE];
	_ =	sdelay $0x1  }
0x2: {  	s1 =	srdreg.scid  }
0x3: {  	s0 =	sand.u32 $0x1, s1  }
0x4: {  	s18 =	sshll.u32 s0, $0xA;
	s2 =	sadd.s32 s3, s2  }
0x5: {  	s2 =	sadd.s32 s2, s18  }
0x6: {  	[smem:$0x3FC5] =	sst s2  }
0x7: {  	_ = 	snop  }
0x8: {  	s2 =	sld [smem:$0x3FD0];
	(tm) =	ssettm $0x1  }
0x9: {  	s19 =	sld [smem:$0x3FFB];
	_ =	sdelay $0x3  }
0xa: {  	_ =	strace s19  }
0xb: {  	s3 =	sld [smem:$0x3FFC];
	_ =	sdelay $0x3  }
0xc: {  	_ =	strace s3  }
0xd: {  	s3 =	sld [smem:$0x3FFD];
	_ =	sdelay $0x3  }
0xe: {  	_ =	strace s3  }
0xf: {  	_ =	strace $0x8FFFFFFF  }
0x10: {  	s20 =	sld [smem:$0x3FDB];
	_ =	sdelay $0x1  }
0x11: {  	s4 =	simm.s32 $_scs_section_size  }
0x12: {  	s5 =	simm.s32 $_size__tile_overlayer_lowered;
	s6 =	simm.s32 $_tile_overlayer_lowered  }
0x13: {  	s23 =	simm.s32 $0x1BFF;
	s22 =	sshll.u32 s6, $0x1;
	s3 =	sadd.s32 s4, s20  }
0x14: {  	s7 =	simm.s32 $0x0;
	s21 =	sshll.u32 s5, $0x1;
	s5 =	sadd.s32 s22, s3  }
0x15: {  	[timem:s7], [sflag:s23] =	dma.local [hbm:s5], s21  }
0x16: {  	_ =	swait.ge [sflag:s23], s21  }
0x17: {  	s4 =	ssub.s32 $0x0, s21;
	[sflag:s23] =	ssyncset.done $0x0  }
0x18: {  	[sflag:s23] =	ssyncadd.s32 s4;
	_ =	sdelay $0x1  }
0x19: {  	s24 =	simm.s32 $0x1B8B  }
0x1a: {  	_ =	swait.ge [sflag:s24], $0x1  }
0x1b: {  	[sflag:s24] =	ssyncset.done $0x0  }
0x1c: {  	s26 =	simm.s32 $0x1B8E;
	s25 =	sld [smem:$0x3FFE];
	[sflag:s24] =	ssyncadd.s32 $0xFFFFFFFF  }
0x1d: {  	s27 =	simm.s32 $execute0_lowered;
	[smem:$0x3FD2] =	sst s26  }
0x1e: {  	s5 =	sshll.u32 s27, $0x1;
	_ =	strace $0x80000049;
	[dreg:$0x1] =	wrdreg $0xFFFFFFFF  }
0x1f: {  	s28 =	simm.s32 $_size_execute0_lowered;
	s3 =	sadd.s32 s3, s5;
	[dreg:$0x0] =	wrdreg $0x0  }
0x20: {  	s5 =	sshll.u32 s28, $0x1;
	[dreg:$0x2] =	wrdreg s3  }
0x21: {  	[dreg:$0x3] =	wrdreg s5  }
0x22: {  	[dreg:$0x4] =	wrdreg $0xC0  }
0x23: {  	_ =	task [dreg:s7], $0x5FFFF  }
0x24: {  	[dreg:$0x1] =	wrdreg $0xFFFFFFFF  }
0x25: {  	[dreg:$0x0] =	wrdreg $0x60  }
0x26: {  	[dreg:$0x2] =	wrdreg s25  }
0x27: {  	[dreg:$0x3] =	wrdreg s2  }
0x28: {  	[dreg:$0x4] =	wrdreg $0x9  }
0x29: {  	_ =	task.clear_ibuf [dreg:s7], $0x5FFFF;
	_ =	strace $0x90000049  }
0x2a: {  	s29 =	simm.s32 $0x9;
	_ =	strace $0x8000004B  }
0x2b: {  	_ =	swait.ge [sflag:s29], $0x1  }
0x2c: {  	[sflag:s29] =	ssyncadd.s32 $0xFFFFFFFF  }
0x2d: {  	_ =	strace $0x9000004B  }
0x2e: {  	_ =	sfence  }
0x2f: {  	s30 =	sld [smem:$0x0];
	_ =	sdelay $0x2  }
0x30: {  	s31 =	sshll.u32 s1, $0xD;
	s1 =	sshrl.u32 s1, $0x2  }
0x31: {  	s3 =	sand.u32 $0x4000, s31;
	s1 =	sadd.s32 s1, s30  }
0x32: {  	s0 =	sor.u32 s3, s0;
	s1 =	sshll.u32 s1, $0x11  }
0x33: {  	s0 =	sor.u32 s1, s0  }
0x34: {  	s0 =	sadd.s32 $0x8F2B, s0  }
0x35: {  	[sflag:s0] =	ssyncadd.remote.s32 $0x1  }
0x36: {  	_ =	sfence.sel $0xFFFF  }
0x37: {  	[dreg:$0x0] =	wrdreg $0xFFFFFFFF;
	(pc) =	sbr.abs _section_cstart, $3  }
0x38: {  	[dreg:$0x1] =	wrdreg $0xFFFFFFFF  }
0x39: {  	_ =	task.clear_ibuf [dreg:s7], $0x2FFFF;
	_ =	strace $0x9FFFFFFF  }
0x3a: {  	(tm) =	ssettm $0x7FFFFFFF  }
0x3b: {  	_ =	shalt  }
tec
execute0_lowered:
.L_overlay_start_1:
0x0: {  	(tag) =	ssettag $0x1  }
0x1: {  	s0 =	stileid.u32;
	s1 =	srdreg.scid  }
0x2: {  	s5 =	rddreg [dreg:$0x0];
	s2 =	sshll.u32 s0, $0x5;
	s1 =	sshll.u32 s1, $0x9  }
0x3: {  	s3 =	rddreg [dreg:$0x1];
	s6 =	simm.s32 $0x1;
	s1 =	sor.u32 s2, s1  }
0x4: {  	s8 =	simm.s32 $0x2;
	s14 =	simm.s32 $0x0;
	s2 =	sand.u32 $0x380, s1  }
0x5: {  	s9 =	simm.s32 $0x4000;
	s15 =	simm.s32 $0x0;
	s4 =	ssub.s32 $0x800, s2  }
0x6: {  	s16 =	simm.s32 $0x0;
	s11 =	simm.s32 $0x0;
	s31 =	sand.u32 $0x380, s4  }
0x7: {  	s13 =	simm.s32 $0x0;
	s7 =	sand.u32 $0x3, s0;
	p0 =	sne.s32 s31, $0x0  }
.Ltmp0:
0x8: {  	s4 =	sshrl.u32 s4, $0xA;
	s6 =	simm.s32 @!p0 $0x0;
	(pc) =	sbr.rel .LBB1_1-.Ltmp0, $4  }
0x9: {  	s1 =	rddreg [dreg:$0x2];
	_ =	strace $0x8000004A;
	s6 =	sadd.s32 s6, s4  }
0xa: {  	s4 =	sadd.s32 $0x800, s5;
	s5 =	simm.s32 $0x1;
	s6 =	smul.u32 $0x43, s6  }
0xb: {  	s12 =	smov.u32 s7;
	s10 =	smov.u32 s2;
	[sflag:s5] =	ssyncpa.u1 $0x0  }
0xc: {  	p0 =	por $0x0, $0x0;
	[sflag:s8] =	ssyncpa.u1 $0x0;
	s8 =	sadd.s32 $0x1, s6  }
.LBB1_4:
0xd: {  	s16 =	smul.u32 $0x43000, s16  }
0xe: {  	s19 =	sshll.u32 s14, $0x3;
	[tilespmem:s17+$0xFFFFFFFC ss:$0x81] =	vst.msk $0xffff, v4;
	s20 =	sand.u32 $0x78, s14;
	s15 =	sshll.u32 s15, $0xC  }
0xf: {  	[tilespmem:s17+$0xFFFFFFFD ss:$0x81] =	vst.msk $0xffff, v2;
	s30 =	sand.u32 $0xF00, s14;
	s19 =	sand.u32 $0x400, s19;
	s16 =	sadd.s32 s3, s16  }
0x10: {  	[tilespmem:s17+$0xFFFFFFFE ss:$0x81] =	vst.msk $0xffff, v1;
	s31 =	sand.u32 $0x7, s14;
	s19 =	sor.u32 s20, s19;
	s15 =	sadd.s32 s15, s16  }
0x11: {  	[tilespmem:s17+$0xFFFFFFFF ss:$0x81] =	vst.msk $0xffff, v3;
	s14 =	sshll.u32 s31, $0x12;
	s19 =	sshrl.u32 s19, $0x3;
	s15 =	sadd.s32 s30, s15  }
0x12: {  	[tilespmem:s17+$0xFFFFFFF9 ss:$0x81] =	vst.msk $0xffff, v0;
	s14 =	sor.u32 $0x400, s14;
	s15 =	sadd.s32 s19, s15  }
0x13: {  	[hbm4b:s15+s14] =	stream.strided.scatter [tilespmem:s18], [sflag:$0x2], $0x800, s9, s14, $0x20;
	[tilespmem:$0x2020] =	vst v63  }
.LBB1_5:
0x14: {  	s17 =	sadd.s32 $0x400, s10  }
0x15: {  	s14 =	simm.s32 $0x1;
	p2 =	sgt.s32 s17, $0x7FF  }
0x16: {  	s14 =	simm.s32 @!p2 $0x0  }
0x17: {  	s18 =	sadd.s32 s14, s11  }
0x18: {  	s20 =	smov.u32 s12;
	s14 =	sadd.s32 $0x4, s12;
	p3 =	sgt.s32 s18, $0x42  }
0x19: {  	s20 =	smov.u32 @p3 s14  }
0x1a: {  	p1 =	slt.u32 s13, $0x2;
	s17 =	smov.u32 @p2 s2;
	p2 =	sgt.s32 s20, $0x3  }
0x1b: {  	s19 =	simm.s32 @!p1 $0x2;
	s20 =	smov.u32 @p2 s7;
	p2 =	sne.s32 s13, s8  }
.Ltmp1:
0x1c: {  	_ =	swait.ge @!p1 [sflag:s19], $0x800;
	(pc) =	sbr.rel @!p2 .LBB1_6-.Ltmp1, $4  }
0x1d: {  	s15 =	smov.u32 s11;
	[sflag:s19] =	ssyncset.done @!p1 $0x0  }
0x1e: {  	s16 =	smov.u32 s12;
	p0 =	por !p0, !p0;
	[sflag:s19] =	ssyncadd.s32 @!p1 $0xFFFFF800  }
0x1f: {  	s18 =	simm.s32 @p3 $0x0;
	s14 =	smov.u32 s10;
	s10 =	smov.u32 s17  }
0x20: {  	s11 =	smov.u32 s18;
	s13 =	sadd.s32 $0x1, s13;
	s12 =	smov.u32 s20  }
.LBB1_1:
0x21: {  	p1 =	sge.u32 s13, s6  }
0x22: {  	s18 =	smul.u32 @!p1 $0x218000, s12  }
0x23: {  	s31 =	sadd.s32 $0xFFFFFFFF, s13;
	s17 =	sxor.u32 @!p1 $0xFFFFFFFF, s13;
	s19 =	sshll.u32 @!p1 s11, $0xF  }
0x24: {  	s20 =	sshll.u32 @!p1 s10, $0x4;
	s17 =	sshll.u32 @!p1 s17, $0xB;
	s18 =	sadd.s32 @!p1 s4, s18  }
0x25: {  	s20 =	sand.u32 @!p1 $0x7FF0, s20;
	s17 =	sand.u32 @!p1 $0x800, s17;
	s18 =	sadd.s32 @!p1 s19, s18  }
0x26: {  	s19 =	simm.s32 @!p1 $0x10;
	s18 =	sadd.s32 @!p1 s20, s18;
	s20 =	simm.s32 @!p1 $0x80  }
0x27: {  	[tilespmem:s17], [sflag:$0x1] =	stream.strided.gather @!p1 [hbm4b:s18+s19], $0x800, s20, s19, $0x38;
	[tilespmem:$0x2020] =	vst v63  }
0x28: {  	p1 =	sge.u32 s31, s6  }
.Ltmp2:
0x29: {  	_ = 	snop;
	(pc) =	sbr.rel @p1 .LBB1_5-.Ltmp2, $1  }
0x2a: {  	_ =	sdelay $0x3  }
0x2b: {  	s17 =	simm.s32 $0x1  }
0x2c: {  	_ =	swait.ge [sflag:s5], $0x800;
	s17 =	simm.s32 @!p0 $0x0  }
0x2d: {  	[sflag:s5] =	ssyncset.done $0x0;
	s18 =	sshll.u32 s17, $0xB  }
0x2e: {  	[sflag:s5] =	ssyncadd.s32 $0xFFFFF800;
	s20 =	sor.u32 $0x40, s18  }
0x2f: {  	v0 =	vld [tilespmem:s20+$0x30]  }
0x30: {  	s17 =	smul.u32 $0x2040, s17;
	v3 =	vld [tilespmem:s20+$0xFFFFFFD0]  }
0x31: {  	v5 =	vld [tilespmem:s20+$0xFFFFFFE0]  }
0x32: {  	s31 =	sand.u32 $0x1, s13;
	s17 =	sshrl.u32 s17, $0x2;
	v4 =	vld [tilespmem:s20+$0xFFFFFFF0]  }
0x33: {  	s18 =	smul.u32 $0x2040, s31;
	v2 =	vld [tilespmem:s20+$0x0];
	s17 =	sor.u32 $0x1007, s17  }
0x34: {  	v1 =	vld [tilespmem:s20+$0x10];
	[tilespmem:s17+$0x0 ss:$0x81] =	vst.msk $0xffff, v0  }
0x35: {  	s18 =	sshrl.u32 s18, $0x2;
	[tilespmem:s17+$0xFFFFFFFA ss:$0x81] =	vst.msk $0xffff, v3;
	v3 =	vld [tilespmem:s20+$0x20]  }
0x36: {  	s19 =	simm.s32 $0x0;
	s18 =	sor.u32 $0x1000, s18;
	v0 =	vld [tilespmem:s20+$0xFFFFFFC0];
	[tilespmem:s17+$0xFFFFFFFB ss:$0x81] =	vst.msk $0xffff, v5;
	s20 =	sadd.s32 $0x80, s20  }
.LBB1_3:
0x37: {  	v5 =	vld [tilespmem:s20+$0x30];
	s19 =	sadd.s32 $0x8, s19;
	[tilespmem:s17+$0xFFFFFFFC ss:$0x81] =	vst.msk $0xffff, v4  }
0x38: {  	v6 =	vld [tilespmem:s20+$0xFFFFFFD0];
	p1 =	slt.u32 s19, $0x78;
	[tilespmem:s17+$0xFFFFFFFD ss:$0x81] =	vst.msk $0xffff, v2  }
0x39: {  	v7 =	vld [tilespmem:s20+$0xFFFFFFE0];
	[tilespmem:s17+$0xFFFFFFFE ss:$0x81] =	vst.msk $0xffff, v1  }
.Ltmp3:
0x3a: {  	v4 =	vld [tilespmem:s20+$0xFFFFFFF0];
	[tilespmem:s17+$0xFFFFFFFF ss:$0x81] =	vst.msk $0xffff, v3;
	(pc) =	sbr.rel @p1 .LBB1_3-.Ltmp3, $4  }
0x3b: {  	v2 =	vld [tilespmem:s20+$0x0];
	[tilespmem:s17+$0xFFFFFFF9 ss:$0x81] =	vst.msk $0xffff, v0;
	s17 =	sadd.s32 $0x8, s17  }
0x3c: {  	v1 =	vld [tilespmem:s20+$0x10];
	[tilespmem:s17+$0x0 ss:$0x81] =	vst.msk $0xffff, v5  }
0x3d: {  	[tilespmem:s17+$0xFFFFFFFA ss:$0x81] =	vst.msk $0xffff, v6;
	v3 =	vld [tilespmem:s20+$0x20]  }
0x3e: {  	v0 =	vld [tilespmem:s20+$0xFFFFFFC0];
	[tilespmem:s17+$0xFFFFFFFB ss:$0x81] =	vst.msk $0xffff, v7;
	s20 =	sadd.s32 $0x80, s20  }
.Ltmp4:
0x3f: {  	_ = 	snop;
	(pc) =	sbr.rel .LBB1_4-.Ltmp4, $1  }
0x40: {  	_ =	sdelay $0x3  }
.LBB1_6:
0x41: {  	_ =	sfence.sel $0x180000  }
0x42: {  	s2 =	simm.s32 $0x1;
	[bflag:$0x0] =	sbarrier.arrive $0xFFFF  }
0x43: {  	s31 =	simm.s32 $0x2;
	[sflag:s2] =	ssyncpa.u1 $0x1  }
0x44: {  	[sflag:s31] =	ssyncpa.u1 $0x1  }
0x45: {  	p0 =	sne.s32 s0, $0x0;
	_ =	strace $0x9000004A  }
0x46: {  	s0 =	sadd.s32 @!p0 $0x100000, s1;
	[bflag:$0x2] =	sbarrier.arrive $0xFFFF  }
0x47: {  	[sflag:s0] =	ssyncadd.tile.s32 @!p0 $0x1;
	_ =	shalt  }
.Lfunc_end1:
_tile_overlayer_lowered:
.L_overlay_start_2:
0x48: {  	(tag) =	ssettag $0x2  }
0x49: {  	s0 =	rddreg [dreg:$0x0];
	s2 =	stileid.u32  }
0x4a: {  	s1 =	rddreg [dreg:$0x1];
	p0 =	sne.s32 s2, $0x0  }
0x4b: {  	s3 =	rddreg [dreg:$0x2];
	[bflag:$0x3] =	sbarrier.arrive $0xFFFF;
	s2 =	simm.s32 @!p0 $0x1C01  }
0x4c: {  	[timem:s3], [sflag:s2] =	dma.local @!p0 [hbm:s0], s1  }
0x4d: {  	s0 =	simm.s32 @!p0 $0x1  }
0x4e: {  	_ =	swait.ge @!p0 [sflag:s0], s1  }
0x4f: {  	s1 =	ssub.s32 @!p0 $0x0, s1;
	[sflag:s0] =	ssyncset.done @!p0 $0x0  }
0x50: {  	[sflag:s0] =	ssyncadd.s32 @!p0 s1  }
0x51: {  	[bflag:$0x3] =	sbarrier.arrive $0xFFFF  }
0x52: {  	_ =	shalt  }

</sc_bundles>
